<compile_context>
chip_gen: v7x
topology: tpu7x:2x2x1
jax: 0.10.2.dev20260603
libtpu: 0.0.44.dev20260713+nightly
codegen_flags: <defaults>
</compile_context>

<pallas_src>
import functools
import jax
import jax.numpy as jnp
from jax import lax
from jax.experimental import pallas as pl
from jax.experimental.pallas import tpu as pltpu
from jax.experimental.pallas import tpu_sc as plsc

_B, _C, _H, _W = 8, 96, 224, 224
_HW = _H * _W
_TC_ROWS = 576
_SC_ROWS = 192
_RB = 24
_NBLK = _TC_ROWS // _RB
_NW = 32
_SC_COL = 3584
_SC_NCB = _HW // _SC_COL


def _tc_probe_krn(x_ref, out_ref, acc_ref):
    i = pl.program_id(0)

    @pl.when(i == 0)
    def _():
        acc_ref[...] = jnp.zeros_like(acc_ref)
        out_ref[...] = jnp.zeros_like(out_ref)

    acc_ref[...] += x_ref[0:8, 0:128]

    @pl.when(i == _NBLK - 1)
    def _():
        out_ref[...] = acc_ref[...]


_sc_mesh = plsc.VectorSubcoreMesh(core_axis_name="core",
                                  subcore_axis_name="subcore")


@functools.partial(
    pl.kernel,
    out_type=jax.ShapeDtypeStruct((_NW, 16), jnp.float32),
    mesh=_sc_mesh,
    scratch_types=[pltpu.VMEM((1, 16), jnp.float32)],
)
def _sc_sum_kernel(x_hbm, o_hbm, acc_v):
    acc_v[...] = jnp.zeros((1, 16), jnp.float32)

    def body(x_vmem):
        @pl.loop(0, 8)
        def _(r):
            @pl.loop(0, _SC_COL, step=64)
            def _(c):
                acc_v[...] += x_vmem.at[pl.ds(r, 1), pl.ds(c, 16)][...]

    pltpu.emit_pipeline(
        body,
        grid=(_SC_ROWS // 8, _SC_NCB),
        in_specs=[pl.BlockSpec((8, _SC_COL), index_map=lambda i, j: (i, j))],
        out_specs=[],
        core_axis_name=("core", "subcore"),
        dimension_semantics=(pltpu.PARALLEL, pltpu.PARALLEL),
    )(x_hbm)

    wid = lax.axis_index("subcore") * 2 + lax.axis_index("core")
    pltpu.sync_copy(acc_v, o_hbm.at[pl.ds(wid, 1), :])


@jax.jit
def kernel(data, labels):
    x2 = data.reshape(_B * _C, _HW)
    x_tc = x2[:_TC_ROWS]
    x_sc = x2[_TC_ROWS:]

    tc_out = pl.pallas_call(
        _tc_probe_krn,
        grid=(_NBLK,),
        in_specs=[pl.BlockSpec((_RB, _HW), lambda i: (i, 0))],
        out_specs=pl.BlockSpec((8, 128), lambda i: (0, 0)),
        out_shape=jax.ShapeDtypeStruct((8, 128), jnp.float32),
        scratch_shapes=[pltpu.VMEM((8, 128), jnp.float32)],
    )(x_tc)

    sc_out = _sc_sum_kernel(x_sc)
    return jnp.sum(sc_out)

# --- scband reference (transcript-rebuilt; emitter-appended) ---
"""Pipeline reference for scband-contrastive-loss-32839319945805 (READ-ONLY COPY).

The authoritative reference and input builder live on the scoring server;
editing this copy changes nothing except your own understanding.
"""

import jax, jax.numpy as jnp
import numpy as np

MARGIN = 1.0
IGNORE_INDEX = -1


def setup_inputs(seed: int = 0) -> dict:
    key = jax.random.key(seed)
    k1, k2 = jax.random.split(key)
    data = jax.random.normal(k1, (8, 96, 224, 224), dtype=jnp.float32)
    labels = jax.random.randint(k2, (8, 224, 224), 0, 2, dtype=jnp.int32)
    return {"data": data, "labels": labels}


def reference(data, labels):
    # Faithful static-shape rewrite of ContrastiveLoss.forward + miner_v3.
    # Dynamic gathers (torch.where / boolean indexing) are replaced by masked
    # reductions computing identical sums/counts.
    b, c, h, w = data.shape
    flat = data.reshape(b, c, h * w).transpose(0, 2, 1).reshape(b * h * w, c)
    lab = labels.reshape(-1)
    valid = lab != IGNORE_INDEX
    pos = valid & (lab == 1)
    neg = valid & (lab == 0)

    # pos rows contribute min over channels; neg rows contribute every channel value
    row_min = jnp.min(flat, axis=1)
    n_pos = pos.sum().astype(jnp.float32)
    n_neg = (neg.sum() * c).astype(jnp.float32)

    hard = neg[:, None] & (flat < MARGIN)  # miner_v3: hard negatives < margin
    n_hard = hard.sum().astype(jnp.float32)

    pos_sq = jnp.where(pos, row_min ** 2, 0.0).sum()
    clamp_sq = jnp.clip(MARGIN - flat, 0.0, None) ** 2
    hard_sum = jnp.where(hard, clamp_sq, 0.0).sum()
    neg_sum = jnp.where(neg[:, None], clamp_sq, 0.0).sum()

    # miner branch: hard negatives exist -> keep only hard negs + all pos mins
    total_h = n_pos + n_hard
    w_pos_h = 1.0 + n_hard / total_h   # weights[1], applied to label==1 term
    w_neg_h = 1.0 + n_pos / total_h    # weights[0], applied to label==0 term
    loss_hard = (w_pos_h * pos_sq + w_neg_h * hard_sum) / total_h

    # miner branch: no hard negatives -> reweight by bincounts, keep all
    total_a = n_pos + n_neg
    w_pos_a = 1.0 + n_neg / total_a
    w_neg_a = 1.0 + n_pos / total_a
    loss_all = (w_pos_a * pos_sq + w_neg_a * neg_sum) / total_a

    return jnp.where(n_hard > 0, loss_hard, loss_all)

if __name__ == "__main__":
    import jax
    _d = setup_inputs()
    print(jax.jit(kernel)(*tuple(_d.values())))

</pallas_src>

<mosaic_0001>
#map = affine_map<(d0, d1) -> (0, 0)>
module attributes {stable_mosaic.version = 14 : i64} {
  func.func @_sc_sum_kernel(%arg0: i32, %arg1: i32, %arg2: memref<192x50176xf32, #tpu.memory_space<hbm>>, %arg3: memref<32x16xf32, #tpu.memory_space<hbm>>, %arg4: memref<1x16xf32, #tpu.memory_space<vmem>>) attributes {dimension_semantics = [#tpu.dimension_semantics<core_parallel>, #tpu.dimension_semantics<subcore_parallel>], iteration_bounds = array<i64: 2, 16>, scalar_prefetch = 0 : i64, scratch_operands = 1 : i64, tpu.core_type = #tpu.core_type<sc_vector_subcore>, window_params = [{transform_indices = #map}, {transform_indices = #map}]} {
    %broadcast_in_dim3A = arith.constant 0.000000e+00 : f32
    %broadcast_in_dim3A_0 = vector.broadcast %broadcast_in_dim3A : f32 to vector<1x16xf32>
    %swap3A = arith.constant 0 : index
    %swap3A_1 = arith.constant 0 : index
    %swap3A_2 = tpu.vector_load %arg4[%swap3A, %swap3A_1] {strides = array<i32>} : memref<1x16xf32, #tpu.memory_space<vmem>>, vector<1x16xf32>,
    %swap3A_3 = vector.shape_cast %swap3A_2 : vector<1x16xf32> to vector<1x16xf32>
    %swap3A_4 = vector.shape_cast %broadcast_in_dim3A_0 : vector<1x16xf32> to vector<1x16xf32>
    tpu.vector_store %arg4[%swap3A, %swap3A_1], %swap3A_4 {strides = array<i32>} : memref<1x16xf32, #tpu.memory_space<vmem>>, vector<1x16xf32>,
    %mul3A = arith.constant 1 : i32
    %mul3A_5 = arith.muli %arg1, %mul3A : i32
    %add3A = arith.constant 0 : i32
    %add3A_6 = arith.addi %add3A, %mul3A_5 : i32
    %mul3A_7 = arith.constant 16 : i32
    %mul3A_8 = arith.muli %arg0, %mul3A_7 : i32
    %add3A_9 = arith.addi %add3A_6, %mul3A_8 : i32
    %lt3A = arith.constant 24 : i32
    %lt3A_10 = arith.cmpi slt, %add3A_9, %lt3A : i32
    %jit3A = arith.constant 1 : i32
    %jit3A_11 = arith.constant 0 : i32
    %select_n3A = arith.select %lt3A_10, %jit3A, %jit3A_11 : i32
    %lt3A_12 = arith.constant 24 : i32
    %lt3A_13 = arith.cmpi slt, %add3A_9, %lt3A_12 : i32
    %mul3A_14 = arith.muli %add3A_9, %select_n3A : i32
    %mul3A_15 = arith.constant 0 : i32
    %mul3A_16 = arith.muli %add3A_9, %mul3A_15 : i32
    %add3A_17 = arith.constant 24 : i32
    %add3A_18 = arith.addi %mul3A_16, %add3A_17 : i32
    %select_n3A_19 = arith.select %lt3A_13, %mul3A_14, %add3A_18 : i32
    %mul3A_20 = arith.constant 1 : i32
    %mul3A_21 = arith.muli %mul3A_20, %select_n3A : i32
    %mul3A_22 = arith.constant 14 : i32
    %mul3A_23 = arith.muli %mul3A_21, %mul3A_22 : i32
    "tpu.region"() ({
      %run_scoped3A = memref.alloca() : memref<2x8x3584xf32, #tpu.memory_space<vmem>>
      %run_scoped3A_27 = tpu.sem_alloc : memref<2x!tpu.dma_semaphore, #tpu.memory_space<semaphore_mem>>
      %gt3A = arith.constant 0 : i32
      %gt3A_28 = arith.cmpi sgt, %mul3A_23, %gt3A : i32
      %convert_element_type3A = arith.extui %gt3A_28 : i1 to i32
      %cond3A = arith.constant 0 : i32
      %cond3A_29 = arith.cmpi ne, %convert_element_type3A, %cond3A : i32
      scf.if %cond3A_29 {
        %mul3A_30 = arith.constant 1 : i32
        %mul3A_31 = arith.muli %mul3A_30, %select_n3A : i32
        %mul3A_32 = arith.constant 14 : i32
        %mul3A_33 = arith.muli %mul3A_31, %mul3A_32 : i32
        %sub3A = arith.constant 1 : i32
        %sub3A_34 = arith.subi %mul3A_33, %sub3A : i32
        %eq3A = arith.constant 0 : i32
        %eq3A_35 = arith.cmpi eq, %sub3A_34, %eq3A : i32
        %add3A_36 = arith.constant 0 : i32
        %add3A_37 = arith.addi %add3A_36, %select_n3A_19 : i32
        %select_n3A_38 = arith.constant true
        %select_n3A_39 = arith.constant 0 : i32
        %select_n3A_40 = arith.constant -1 : i32
        %select_n3A_41 = arith.select %select_n3A_38, %select_n3A_40, %select_n3A_39 : i32
        %eq3A_42 = arith.constant -1 : i32
        %eq3A_43 = arith.cmpi eq, %select_n3A_41, %eq3A_42 : i32
        %select_n3A_44 = arith.constant 13 : i32
        %select_n3A_45 = arith.select %eq3A_43, %select_n3A_44, %select_n3A_41 : i32
        %select_n3A_46 = arith.constant 0 : i32
        %select_n3A_47 = arith.constant -1 : i32
        %select_n3A_48 = arith.select %eq3A_43, %select_n3A_47, %select_n3A_46 : i32
        %eq3A_49 = arith.constant -1 : i32
        %eq3A_50 = arith.cmpi eq, %select_n3A_48, %eq3A_49 : i32
        %sub3A_51 = arith.constant 1 : i32
        %sub3A_52 = arith.subi %select_n3A, %sub3A_51 : i32
        %select_n3A_53 = arith.select %eq3A_50, %sub3A_52, %select_n3A_48 : i32
        %add3A_54 = arith.addi %select_n3A_53, %select_n3A_19 : i32
        %add3A_55 = arith.constant 0 : i32
        %add3A_56 = arith.addi %select_n3A_45, %add3A_55 : i32
        %select_n3A_57 = arith.constant true
        %select_n3A_58 = arith.constant 0 : i32
        %select_n3A_59 = arith.constant 1 : i32
        %select_n3A_60 = arith.select %select_n3A_57, %select_n3A_59, %select_n3A_58 : i32
        %eq3A_61 = arith.constant 14 : i32
        %eq3A_62 = arith.cmpi eq, %select_n3A_60, %eq3A_61 : i32
        %select_n3A_63 = arith.constant 0 : i32
        %select_n3A_64 = arith.select %eq3A_62, %select_n3A_63, %select_n3A_60 : i32
        %select_n3A_65 = arith.constant 0 : i32
        %select_n3A_66 = arith.constant 1 : i32
        %select_n3A_67 = arith.select %eq3A_62, %select_n3A_66, %select_n3A_65 : i32
        %eq3A_68 = arith.cmpi eq, %select_n3A_67, %select_n3A : i32
        %select_n3A_69 = arith.constant 0 : i32
        %select_n3A_70 = arith.select %eq3A_68, %select_n3A_69, %select_n3A_67 : i32
        %add3A_71 = arith.addi %select_n3A_70, %select_n3A_19 : i32
        %add3A_72 = arith.constant 0 : i32
        %add3A_73 = arith.addi %select_n3A_64, %add3A_72 : i32
        %add3A_74 = arith.constant 1 : i32
        %add3A_75 = arith.addi %select_n3A_64, %add3A_74 : i32
        %select_n3A_76 = arith.constant true
        %select_n3A_77 = arith.select %select_n3A_76, %add3A_75, %select_n3A_64 : i32
        %eq3A_78 = arith.constant 14 : i32
        %eq3A_79 = arith.cmpi eq, %select_n3A_77, %eq3A_78 : i32
        %select_n3A_80 = arith.constant 0 : i32
        %select_n3A_81 = arith.select %eq3A_79, %select_n3A_80, %select_n3A_77 : i32
        %add3A_82 = arith.constant 1 : i32
        %add3A_83 = arith.addi %select_n3A_70, %add3A_82 : i32
        %select_n3A_84 = arith.select %eq3A_79, %add3A_83, %select_n3A_70 : i32
        %eq3A_85 = arith.cmpi eq, %select_n3A_84, %select_n3A : i32
        %select_n3A_86 = arith.constant 0 : i32
        %select_n3A_87 = arith.select %eq3A_85, %select_n3A_86, %select_n3A_84 : i32
        %add3A_88 = arith.addi %select_n3A_87, %select_n3A_19 : i32
        %add3A_89 = arith.constant 0 : i32
        %add3A_90 = arith.addi %select_n3A_81, %add3A_89 : i32
        "tpu.trace_start"() <{level = 10 : i32, message = "ep_initialize_0"}> : () -> ()
        %rem3A = arith.constant 0 : i32
        %rem3A_91 = arith.constant 2 : i32
        %rem3A_92 = arith.remui %rem3A, %rem3A_91 : i32
        %mul3A_93 = arith.constant 8 : i32
        %mul3A_94 = arith.muli %mul3A_93, %add3A_37 : i32
        %dma_start3A = arith.constant 0 : i32
        %dma_start3A_95 = arith.constant 0 : i32
        %dma_start3A_96 = tpu.memref_slice %run_scoped3A[%rem3A_92, %dma_start3A, %dma_start3A_95] : memref<2x8x3584xf32, #tpu.memory_space<vmem>> -> memref<1x8x3584xf32, #tpu.memory_space<vmem>>
        %dma_start3A_97 = tpu.memref_squeeze %dma_start3A_96 : memref<1x8x3584xf32, #tpu.memory_space<vmem>> -> memref<8x3584xf32, #tpu.memory_space<vmem>>
        %dma_start3A_98 = arith.constant 0 : i32
        %dma_start3A_99 = tpu.memref_slice %arg2[%mul3A_94, %dma_start3A_98] : memref<192x50176xf32, #tpu.memory_space<hbm>> -> memref<8x3584xf32, #tpu.memory_space<hbm>>
        %dma_start3A_100 = tpu.memref_slice %run_scoped3A_27[%rem3A_92] : memref<2x!tpu.dma_semaphore, #tpu.memory_space<semaphore_mem>> -> memref<1x!tpu.dma_semaphore, #tpu.memory_space<semaphore_mem>>
        %dma_start3A_101 = tpu.memref_squeeze %dma_start3A_100 : memref<1x!tpu.dma_semaphore, #tpu.memory_space<semaphore_mem>> -> memref<!tpu.dma_semaphore, #tpu.memory_space<semaphore_mem>>
        %dma_start3A_102 = arith.constant 0 : i32
        %dma_start3A_103 = arith.constant 0 : i32
        %dma_start3A_104 = tpu.memref_slice %run_scoped3A[%rem3A_92, %dma_start3A_102, %dma_start3A_103] : memref<2x8x3584xf32, #tpu.memory_space<vmem>> -> memref<1x8x3584xf32, #tpu.memory_space<vmem>>
        %dma_start3A_105 = tpu.memref_squeeze %dma_start3A_104 : memref<1x8x3584xf32, #tpu.memory_space<vmem>> -> memref<8x3584xf32, #tpu.memory_space<vmem>>
        %dma_start3A_106 = arith.constant 0 : i32
        %dma_start3A_107 = tpu.memref_slice %arg2[%mul3A_94, %dma_start3A_106] : memref<192x50176xf32, #tpu.memory_space<hbm>> -> memref<8x3584xf32, #tpu.memory_space<hbm>>
        tpu.enqueue_dma source(%dma_start3A_107 : memref<8x3584xf32, #tpu.memory_space<hbm>>) target(%dma_start3A_105 : memref<8x3584xf32, #tpu.memory_space<vmem>>) target_semaphore(%dma_start3A_101 : memref<!tpu.dma_semaphore, #tpu.memory_space<semaphore_mem>>)
        %add3A_108 = arith.constant 0 : i32
        %add3A_109 = arith.constant 1 : i32
        %add3A_110 = arith.addi %add3A_108, %add3A_109 : i32
        %select_n3A_111 = arith.constant true
        %select_n3A_112 = arith.constant 0 : i32
        %select_n3A_113 = arith.select %select_n3A_111, %add3A_110, %select_n3A_112 : i32
        %while3A = arith.constant 0 : i32
        %while3A_114 = arith.constant 0 : i32
        %while3A_115 = arith.constant 0 : i32
        %while3A_116 = arith.constant 0 : i32
        "tpu.trace_stop"() : () -> ()
        %while3A_117 = arith.subi %mul3A_23, %while3A : i32
        %while3A_118 = arith.addi %while3A, %while3A_117 : i32
        %while3A_119 = arith.constant 1 : i32
        %while3A_120 = arith.divsi %while3A_117, %while3A_119 : i32
        %while3A_121 = arith.muli %while3A_120, %while3A_119 : i32
        %while3A_122 = arith.addi %while3A, %while3A_121 : i32
        %while3A_123 = arith.constant 1 : i32
        %while3A_124:4 = scf.for %while3A_213 = %while3A to %while3A_122 step %while3A_123 iter_args(%while3A_214 = %select_n3A_113, %while3A_215 = %while3A_114, %while3A_216 = %while3A_115, %while3A_217 = %while3A_116) -> (i32, i32, i32, i32)  : i32 {
          %mul3A_218 = arith.constant 1 : i32
          %mul3A_219 = arith.muli %mul3A_218, %select_n3A : i32
          %mul3A_220 = arith.constant 14 : i32
          %mul3A_221 = arith.muli %mul3A_219, %mul3A_220 : i32
          %eq3A_222 = arith.constant 0 : i32
          %eq3A_223 = arith.cmpi eq, %while3A_213, %eq3A_222 : i32
          %sub3A_224 = arith.constant 1 : i32
          %sub3A_225 = arith.subi %mul3A_221, %sub3A_224 : i32
          %eq3A_226 = arith.cmpi eq, %while3A_213, %sub3A_225 : i32
          %add3A_227 = arith.addi %while3A_216, %select_n3A_19 : i32
          %add3A_228 = arith.constant 0 : i32
          %add3A_229 = arith.addi %while3A_217, %add3A_228 : i32
          %sub3A_230 = arith.constant 1 : i32
          %sub3A_231 = arith.subi %while3A_217, %sub3A_230 : i32
          %select_n3A_232 = arith.constant true
          %select_n3A_233 = arith.select %select_n3A_232, %sub3A_231, %while3A_217 : i32
          %eq3A_234 = arith.constant -1 : i32
          %eq3A_235 = arith.cmpi eq, %select_n3A_233, %eq3A_234 : i32
          %select_n3A_236 = arith.constant 13 : i32
          %select_n3A_237 = arith.select %eq3A_235, %select_n3A_236, %select_n3A_233 : i32
          %sub3A_238 = arith.constant 1 : i32
          %sub3A_239 = arith.subi %while3A_216, %sub3A_238 : i32
          %select_n3A_240 = arith.select %eq3A_235, %sub3A_239, %while3A_216 : i32
          %eq3A_241 = arith.constant -1 : i32
          %eq3A_242 = arith.cmpi eq, %select_n3A_240, %eq3A_241 : i32
          %sub3A_243 = arith.constant 1 : i32
          %sub3A_244 = arith.subi %select_n3A, %sub3A_243 : i32
          %select_n3A_245 = arith.select %eq3A_242, %sub3A_244, %select_n3A_240 : i32
          %add3A_246 = arith.addi %select_n3A_245, %select_n3A_19 : i32
          %add3A_247 = arith.constant 0 : i32
          %add3A_248 = arith.addi %select_n3A_237, %add3A_247 : i32
          %add3A_249 = arith.constant 1 : i32
          %add3A_250 = arith.addi %while3A_217, %add3A_249 : i32
          %select_n3A_251 = arith.constant true
          %select_n3A_252 = arith.select %select_n3A_251, %add3A_250, %while3A_217 : i32
          %eq3A_253 = arith.constant 14 : i32
          %eq3A_254 = arith.cmpi eq, %select_n3A_252, %eq3A_253 : i32
          %select_n3A_255 = arith.constant 0 : i32
          %select_n3A_256 = arith.select %eq3A_254, %select_n3A_255, %select_n3A_252 : i32
          %add3A_257 = arith.constant 1 : i32
          %add3A_258 = arith.addi %while3A_216, %add3A_257 : i32
          %select_n3A_259 = arith.select %eq3A_254, %add3A_258, %while3A_216 : i32
          %eq3A_260 = arith.cmpi eq, %select_n3A_259, %select_n3A : i32
          %select_n3A_261 = arith.constant 0 : i32
          %select_n3A_262 = arith.select %eq3A_260, %select_n3A_261, %select_n3A_259 : i32
          %add3A_263 = arith.addi %select_n3A_262, %select_n3A_19 : i32
          %add3A_264 = arith.constant 0 : i32
          %add3A_265 = arith.addi %select_n3A_256, %add3A_264 : i32
          %add3A_266 = arith.constant 1 : i32
          %add3A_267 = arith.addi %select_n3A_256, %add3A_266 : i32
          %select_n3A_268 = arith.constant true
          %select_n3A_269 = arith.select %select_n3A_268, %add3A_267, %select_n3A_256 : i32
          %eq3A_270 = arith.constant 14 : i32
          %eq3A_271 = arith.cmpi eq, %select_n3A_269, %eq3A_270 : i32
          %select_n3A_272 = arith.constant 0 : i32
          %select_n3A_273 = arith.select %eq3A_271, %select_n3A_272, %select_n3A_269 : i32
          %add3A_274 = arith.constant 1 : i32
          %add3A_275 = arith.addi %select_n3A_262, %add3A_274 : i32
          %select_n3A_276 = arith.select %eq3A_271, %add3A_275, %select_n3A_262 : i32
          %eq3A_277 = arith.cmpi eq, %select_n3A_276, %select_n3A : i32
          %select_n3A_278 = arith.constant 0 : i32
          %select_n3A_279 = arith.select %eq3A_277, %select_n3A_278, %select_n3A_276 : i32
          %add3A_280 = arith.addi %select_n3A_279, %select_n3A_19 : i32
          %add3A_281 = arith.constant 0 : i32
          %add3A_282 = arith.addi %select_n3A_273, %add3A_281 : i32
          %ne3A = arith.cmpi ne, %add3A_227, %add3A_263 : i32
          %ne3A_283 = arith.cmpi ne, %add3A_229, %add3A_265 : i32
          %or3A = arith.constant false
          %or3A_284 = arith.ori %or3A, %ne3A : i1
          %or3A_285 = arith.ori %or3A_284, %ne3A_283 : i1
          %sub3A_286 = arith.constant 2 : i32
          %sub3A_287 = arith.subi %mul3A_221, %sub3A_286 : i32
          %add3A_288 = arith.constant 1 : i32
          %add3A_289 = arith.addi %sub3A_287, %add3A_288 : i32
          %ge3A = arith.cmpi sge, %while3A_213, %add3A_289 : i32
          %not3A = arith.constant true
          %not3A_290 = arith.xori %ge3A, %not3A : i1
          %and3A = arith.andi %or3A_285, %not3A_290 : i1
          %convert_element_type3A_291 = arith.extui %and3A : i1 to i32
          %cond3A_292 = arith.constant 0 : i32
          %cond3A_293 = arith.cmpi ne, %convert_element_type3A_291, %cond3A_292 : i32
          scf.if %cond3A_293 {
            "tpu.trace_start"() <{level = 10 : i32, message = "ep_copy_in"}> : () -> ()
            %rem3A_361 = arith.constant 2 : i32
            %rem3A_362 = arith.remui %while3A_214, %rem3A_361 : i32
            %mul3A_363 = arith.constant 8 : i32
            %mul3A_364 = arith.muli %mul3A_363, %add3A_263 : i32
            %mul3A_365 = arith.constant 3584 : i32
            %mul3A_366 = arith.muli %mul3A_365, %add3A_265 : i32
            %dma_start3A_367 = arith.constant 0 : i32
            %dma_start3A_368 = arith.constant 0 : i32
            %dma_start3A_369 = tpu.memref_slice %run_scoped3A[%rem3A_362, %dma_start3A_367, %dma_start3A_368] : memref<2x8x3584xf32, #tpu.memory_space<vmem>> -> memref<1x8x3584xf32, #tpu.memory_space<vmem>>
            %dma_start3A_370 = tpu.memref_squeeze %dma_start3A_369 : memref<1x8x3584xf32, #tpu.memory_space<vmem>> -> memref<8x3584xf32, #tpu.memory_space<vmem>>
            %dma_start3A_371 = tpu.memref_slice %arg2[%mul3A_364, %mul3A_366] : memref<192x50176xf32, #tpu.memory_space<hbm>> -> memref<8x3584xf32, #tpu.memory_space<hbm>>
            %dma_start3A_372 = tpu.memref_slice %run_scoped3A_27[%rem3A_362] : memref<2x!tpu.dma_semaphore, #tpu.memory_space<semaphore_mem>> -> memref<1x!tpu.dma_semaphore, #tpu.memory_space<semaphore_mem>>
            %dma_start3A_373 = tpu.memref_squeeze %dma_start3A_372 : memref<1x!tpu.dma_semaphore, #tpu.memory_space<semaphore_mem>> -> memref<!tpu.dma_semaphore, #tpu.memory_space<semaphore_mem>>
            %dma_start3A_374 = arith.constant 0 : i32
            %dma_start3A_375 = arith.constant 0 : i32
            %dma_start3A_376 = tpu.memref_slice %run_scoped3A[%rem3A_362, %dma_start3A_374, %dma_start3A_375] : memref<2x8x3584xf32, #tpu.memory_space<vmem>> -> memref<1x8x3584xf32, #tpu.memory_space<vmem>>
            %dma_start3A_377 = tpu.memref_squeeze %dma_start3A_376 : memref<1x8x3584xf32, #tpu.memory_space<vmem>> -> memref<8x3584xf32, #tpu.memory_space<vmem>>
            %dma_start3A_378 = tpu.memref_slice %arg2[%mul3A_364, %mul3A_366] : memref<192x50176xf32, #tpu.memory_space<hbm>> -> memref<8x3584xf32, #tpu.memory_space<hbm>>
            tpu.enqueue_dma source(%dma_start3A_378 : memref<8x3584xf32, #tpu.memory_space<hbm>>) target(%dma_start3A_377 : memref<8x3584xf32, #tpu.memory_space<vmem>>) target_semaphore(%dma_start3A_373 : memref<!tpu.dma_semaphore, #tpu.memory_space<semaphore_mem>>)
            "tpu.trace_stop"() : () -> ()
          } else {
          }
          %and3A_294 = arith.constant true
          %and3A_295 = arith.andi %and3A, %and3A_294 : i1
          %add3A_296 = arith.constant 1 : i32
          %add3A_297 = arith.addi %while3A_214, %add3A_296 : i32
          %select_n3A_298 = arith.select %and3A_295, %add3A_297, %while3A_214 : i32
          %ne3A_299 = arith.cmpi ne, %add3A_227, %add3A_246 : i32
          %ne3A_300 = arith.cmpi ne, %add3A_229, %add3A_248 : i32
          %or3A_301 = arith.constant false
          %or3A_302 = arith.ori %or3A_301, %ne3A_299 : i1
          %or3A_303 = arith.ori %or3A_302, %ne3A_300 : i1
          %or3A_304 = arith.ori %or3A_303, %eq3A_223 : i1
          %convert_element_type3A_305 = arith.extui %or3A_304 : i1 to i32
          %cond3A_306 = arith.constant 0 : i32
          %cond3A_307 = arith.cmpi ne, %convert_element_type3A_305, %cond3A_306 : i32
          scf.if %cond3A_307 {
            "tpu.trace_start"() <{level = 10 : i32, message = "ep_wait_in"}> : () -> ()
            %mul3A_361 = arith.constant 8 : i32
            %mul3A_362 = arith.muli %mul3A_361, %add3A_227 : i32
            %mul3A_363 = arith.constant 3584 : i32
            %mul3A_364 = arith.muli %mul3A_363, %add3A_229 : i32
            %rem3A_365 = arith.constant 2 : i32
            %rem3A_366 = arith.remui %while3A_215, %rem3A_365 : i32
            %dma_wait3A = arith.constant 0 : i32
            %dma_wait3A_367 = arith.constant 0 : i32
            %dma_wait3A_368 = tpu.memref_slice %run_scoped3A[%rem3A_366, %dma_wait3A, %dma_wait3A_367] : memref<2x8x3584xf32, #tpu.memory_space<vmem>> -> memref<1x8x3584xf32, #tpu.memory_space<vmem>>
            %dma_wait3A_369 = tpu.memref_squeeze %dma_wait3A_368 : memref<1x8x3584xf32, #tpu.memory_space<vmem>> -> memref<8x3584xf32, #tpu.memory_space<vmem>>
            %dma_wait3A_370 = tpu.memref_slice %arg2[%mul3A_362, %mul3A_364] : memref<192x50176xf32, #tpu.memory_space<hbm>> -> memref<8x3584xf32, #tpu.memory_space<hbm>>
            %dma_wait3A_371 = tpu.memref_slice %run_scoped3A_27[%rem3A_366] : memref<2x!tpu.dma_semaphore, #tpu.memory_space<semaphore_mem>> -> memref<1x!tpu.dma_semaphore, #tpu.memory_space<semaphore_mem>>
            %dma_wait3A_372 = tpu.memref_squeeze %dma_wait3A_371 : memref<1x!tpu.dma_semaphore, #tpu.memory_space<semaphore_mem>> -> memref<!tpu.dma_semaphore, #tpu.memory_space<semaphore_mem>>
            %dma_wait3A_373 = arith.constant 0 : i32
            %dma_wait3A_374 = arith.constant 0 : i32
            %dma_wait3A_375 = tpu.memref_slice %run_scoped3A[%rem3A_366, %dma_wait3A_373, %dma_wait3A_374] : memref<2x8x3584xf32, #tpu.memory_space<vmem>> -> memref<1x8x3584xf32, #tpu.memory_space<vmem>>
            %dma_wait3A_376 = tpu.memref_squeeze %dma_wait3A_375 : memref<1x8x3584xf32, #tpu.memory_space<vmem>> -> memref<8x3584xf32, #tpu.memory_space<vmem>>
            %dma_wait3A_377 = tpu.memref_slice %arg2[%mul3A_362, %mul3A_364] : memref<192x50176xf32, #tpu.memory_space<hbm>> -> memref<8x3584xf32, #tpu.memory_space<hbm>>
            tpu.wait_dma2 semaphore(%dma_wait3A_372 : memref<!tpu.dma_semaphore, #tpu.memory_space<semaphore_mem>>) src(%dma_wait3A_377 : memref<8x3584xf32, #tpu.memory_space<hbm>>) dst(%dma_wait3A_376 : memref<8x3584xf32, #tpu.memory_space<vmem>>)
            "tpu.trace_stop"() : () -> ()
          } else {
          }
          %rem3A_308 = arith.constant 2 : i32
          %rem3A_309 = arith.remui %while3A_215, %rem3A_308 : i32
          "tpu.trace_start"() <{level = 10 : i32, message = "ep_run_kernel"}> : () -> ()
          %scan3A = arith.constant 0 : i32
          %scan3A_310 = arith.constant 8 : i32
          %scan3A_311 = arith.addi %scan3A, %scan3A_310 : i32
          %scan3A_312 = arith.constant 1 : i32
          scf.for %scan3A_361 = %scan3A to %scan3A_311 step %scan3A_312  : i32 {
            %mul3A_362 = arith.constant 1 : i32
            %mul3A_363 = arith.muli %scan3A_361, %mul3A_362 : i32
            %add3A_364 = arith.constant 0 : i32
            %add3A_365 = arith.addi %add3A_364, %mul3A_363 : i32
            %scan3A_366 = arith.constant 0 : i32
            %scan3A_367 = arith.constant 56 : i32
            %scan3A_368 = arith.addi %scan3A_366, %scan3A_367 : i32
            %scan3A_369 = arith.constant 1 : i32
            scf.for %scan3A_371 = %scan3A_366 to %scan3A_368 step %scan3A_369  : i32 {
              %mul3A_372 = arith.constant 64 : i32
              %mul3A_373 = arith.muli %scan3A_371, %mul3A_372 : i32
              %add3A_374 = arith.constant 0 : i32
              %add3A_375 = arith.addi %add3A_374, %mul3A_373 : i32
              %get3A = arith.constant 0 : index
              %get3A_376 = arith.constant 0 : index
              %get3A_377 = tpu.vector_load %arg4[%get3A, %get3A_376] {strides = array<i32>} : memref<1x16xf32, #tpu.memory_space<vmem>>, vector<1x16xf32>,
              %get3A_378 = vector.shape_cast %get3A_377 : vector<1x16xf32> to vector<1x16xf32>
              %get3A_379 = arith.constant 0 : i32
              %get3A_380 = arith.constant 0 : i32
              %get3A_381 = tpu.memref_slice %run_scoped3A[%rem3A_309, %get3A_379, %get3A_380] : memref<2x8x3584xf32, #tpu.memory_space<vmem>> -> memref<1x8x3584xf32, #tpu.memory_space<vmem>>
              %get3A_382 = tpu.memref_squeeze %get3A_381 : memref<1x8x3584xf32, #tpu.memory_space<vmem>> -> memref<8x3584xf32, #tpu.memory_space<vmem>>
              %get3A_383 = arith.index_cast %add3A_365 : i32 to index
              %get3A_384 = arith.index_cast %add3A_375 : i32 to index
              %get3A_385 = tpu.vector_load %get3A_382[%get3A_383, %get3A_384] {strides = array<i32>} : memref<8x3584xf32, #tpu.memory_space<vmem>>, vector<1x16xf32>,
              %get3A_386 = vector.shape_cast %get3A_385 : vector<1x16xf32> to vector<1x16xf32>
              %add3A_387 = arith.addf %get3A_378, %get3A_386 : vector<1x16xf32>
              %swap3A_388 = arith.constant 0 : index
              %swap3A_389 = arith.constant 0 : index
              %swap3A_390 = tpu.vector_load %arg4[%swap3A_388, %swap3A_389] {strides = array<i32>} : memref<1x16xf32, #tpu.memory_space<vmem>>, vector<1x16xf32>,
              %swap3A_391 = vector.shape_cast %swap3A_390 : vector<1x16xf32> to vector<1x16xf32>
              %swap3A_392 = vector.shape_cast %add3A_387 : vector<1x16xf32> to vector<1x16xf32>
              tpu.vector_store %arg4[%swap3A_388, %swap3A_389], %swap3A_392 {strides = array<i32>} : memref<1x16xf32, #tpu.memory_space<vmem>>, vector<1x16xf32>,
            }
            %scan3A_370 = arith.constant 56 : i32
          }
          %scan3A_313 = arith.constant 8 : i32
          "tpu.trace_stop"() : () -> ()
          %ne3A_314 = arith.cmpi ne, %add3A_227, %add3A_263 : i32
          %ne3A_315 = arith.cmpi ne, %add3A_229, %add3A_265 : i32
          %or3A_316 = arith.constant false
          %or3A_317 = arith.ori %or3A_316, %ne3A_314 : i1
          %or3A_318 = arith.ori %or3A_317, %ne3A_315 : i1
          %or3A_319 = arith.ori %or3A_318, %eq3A_226 : i1
          %convert_element_type3A_320 = arith.extui %or3A_319 : i1 to i32
          %cond3A_321 = arith.constant 0 : i32
          %cond3A_322 = arith.cmpi ne, %convert_element_type3A_320, %cond3A_321 : i32
          scf.if %cond3A_322 {
          } else {
          }
          %and3A_323 = arith.constant false
          %and3A_324 = arith.andi %or3A_319, %and3A_323 : i1
          %ne3A_325 = arith.cmpi ne, %add3A_227, %add3A_246 : i32
          %ne3A_326 = arith.cmpi ne, %add3A_229, %add3A_248 : i32
          %or3A_327 = arith.constant false
          %or3A_328 = arith.ori %or3A_327, %ne3A_325 : i1
          %or3A_329 = arith.ori %or3A_328, %ne3A_326 : i1
          %not3A_330 = arith.constant true
          %not3A_331 = arith.xori %eq3A_223, %not3A_330 : i1
          %and3A_332 = arith.andi %or3A_329, %not3A_331 : i1
          %convert_element_type3A_333 = arith.extui %and3A_332 : i1 to i32
          %cond3A_334 = arith.constant 0 : i32
          %cond3A_335 = arith.cmpi ne, %convert_element_type3A_333, %cond3A_334 : i32
          scf.if %cond3A_335 {
          } else {
          }
          %and3A_336 = arith.constant false
          %and3A_337 = arith.andi %and3A_332, %and3A_336 : i1
          %ne3A_338 = arith.cmpi ne, %add3A_227, %add3A_263 : i32
          %ne3A_339 = arith.cmpi ne, %add3A_229, %add3A_265 : i32
          %or3A_340 = arith.constant false
          %or3A_341 = arith.ori %or3A_340, %ne3A_338 : i1
          %or3A_342 = arith.ori %or3A_341, %ne3A_339 : i1
          %or3A_343 = arith.ori %or3A_342, %eq3A_226 : i1
          %add3A_344 = arith.constant 1 : i32
          %add3A_345 = arith.addi %while3A_215, %add3A_344 : i32
          %select_n3A_346 = arith.select %or3A_343, %add3A_345, %while3A_215 : i32
          %add3A_347 = arith.constant 1 : i32
          %add3A_348 = arith.addi %while3A_217, %add3A_347 : i32
          %select_n3A_349 = arith.constant true
          %select_n3A_350 = arith.select %select_n3A_349, %add3A_348, %while3A_217 : i32
          %eq3A_351 = arith.constant 14 : i32
          %eq3A_352 = arith.cmpi eq, %select_n3A_350, %eq3A_351 : i32
          %select_n3A_353 = arith.constant 0 : i32
          %select_n3A_354 = arith.select %eq3A_352, %select_n3A_353, %select_n3A_350 : i32
          %add3A_355 = arith.constant 1 : i32
          %add3A_356 = arith.addi %while3A_216, %add3A_355 : i32
          %select_n3A_357 = arith.select %eq3A_352, %add3A_356, %while3A_216 : i32
          %eq3A_358 = arith.cmpi eq, %select_n3A_357, %select_n3A : i32
          %select_n3A_359 = arith.constant 0 : i32
          %select_n3A_360 = arith.select %eq3A_358, %select_n3A_359, %select_n3A_357 : i32
          scf.yield %select_n3A_298, %select_n3A_346, %select_n3A_360, %select_n3A_354 : i32, i32, i32, i32
        }
        %while3A_125 = arith.constant 1 : i32
        %while3A_126:4 = scf.for %while3A_213 = %while3A_122 to %while3A_118 step %while3A_125 iter_args(%while3A_214 = %while3A_124#0, %while3A_215 = %while3A_124#1, %while3A_216 = %while3A_124#2, %while3A_217 = %while3A_124#3) -> (i32, i32, i32, i32)  : i32 {
          %mul3A_218 = arith.constant 1 : i32
          %mul3A_219 = arith.muli %mul3A_218, %select_n3A : i32
          %mul3A_220 = arith.constant 14 : i32
          %mul3A_221 = arith.muli %mul3A_219, %mul3A_220 : i32
          %eq3A_222 = arith.constant 0 : i32
          %eq3A_223 = arith.cmpi eq, %while3A_213, %eq3A_222 : i32
          %sub3A_224 = arith.constant 1 : i32
          %sub3A_225 = arith.subi %mul3A_221, %sub3A_224 : i32
          %eq3A_226 = arith.cmpi eq, %while3A_213, %sub3A_225 : i32
          %add3A_227 = arith.addi %while3A_216, %select_n3A_19 : i32
          %add3A_228 = arith.constant 0 : i32
          %add3A_229 = arith.addi %while3A_217, %add3A_228 : i32
          %sub3A_230 = arith.constant 1 : i32
          %sub3A_231 = arith.subi %while3A_217, %sub3A_230 : i32
          %select_n3A_232 = arith.constant true
          %select_n3A_233 = arith.select %select_n3A_232, %sub3A_231, %while3A_217 : i32
          %eq3A_234 = arith.constant -1 : i32
          %eq3A_235 = arith.cmpi eq, %select_n3A_233, %eq3A_234 : i32
          %select_n3A_236 = arith.constant 13 : i32
          %select_n3A_237 = arith.select %eq3A_235, %select_n3A_236, %select_n3A_233 : i32
          %sub3A_238 = arith.constant 1 : i32
          %sub3A_239 = arith.subi %while3A_216, %sub3A_238 : i32
          %select_n3A_240 = arith.select %eq3A_235, %sub3A_239, %while3A_216 : i32
          %eq3A_241 = arith.constant -1 : i32
          %eq3A_242 = arith.cmpi eq, %select_n3A_240, %eq3A_241 : i32
          %sub3A_243 = arith.constant 1 : i32
          %sub3A_244 = arith.subi %select_n3A, %sub3A_243 : i32
          %select_n3A_245 = arith.select %eq3A_242, %sub3A_244, %select_n3A_240 : i32
          %add3A_246 = arith.addi %select_n3A_245, %select_n3A_19 : i32
          %add3A_247 = arith.constant 0 : i32
          %add3A_248 = arith.addi %select_n3A_237, %add3A_247 : i32
          %add3A_249 = arith.constant 1 : i32
          %add3A_250 = arith.addi %while3A_217, %add3A_249 : i32
          %select_n3A_251 = arith.constant true
          %select_n3A_252 = arith.select %select_n3A_251, %add3A_250, %while3A_217 : i32
          %eq3A_253 = arith.constant 14 : i32
          %eq3A_254 = arith.cmpi eq, %select_n3A_252, %eq3A_253 : i32
          %select_n3A_255 = arith.constant 0 : i32
          %select_n3A_256 = arith.select %eq3A_254, %select_n3A_255, %select_n3A_252 : i32
          %add3A_257 = arith.constant 1 : i32
          %add3A_258 = arith.addi %while3A_216, %add3A_257 : i32
          %select_n3A_259 = arith.select %eq3A_254, %add3A_258, %while3A_216 : i32
          %eq3A_260 = arith.cmpi eq, %select_n3A_259, %select_n3A : i32
          %select_n3A_261 = arith.constant 0 : i32
          %select_n3A_262 = arith.select %eq3A_260, %select_n3A_261, %select_n3A_259 : i32
          %add3A_263 = arith.addi %select_n3A_262, %select_n3A_19 : i32
          %add3A_264 = arith.constant 0 : i32
          %add3A_265 = arith.addi %select_n3A_256, %add3A_264 : i32
          %add3A_266 = arith.constant 1 : i32
          %add3A_267 = arith.addi %select_n3A_256, %add3A_266 : i32
          %select_n3A_268 = arith.constant true
          %select_n3A_269 = arith.select %select_n3A_268, %add3A_267, %select_n3A_256 : i32
          %eq3A_270 = arith.constant 14 : i32
          %eq3A_271 = arith.cmpi eq, %select_n3A_269, %eq3A_270 : i32
          %select_n3A_272 = arith.constant 0 : i32
          %select_n3A_273 = arith.select %eq3A_271, %select_n3A_272, %select_n3A_269 : i32
          %add3A_274 = arith.constant 1 : i32
          %add3A_275 = arith.addi %select_n3A_262, %add3A_274 : i32
          %select_n3A_276 = arith.select %eq3A_271, %add3A_275, %select_n3A_262 : i32
          %eq3A_277 = arith.cmpi eq, %select_n3A_276, %select_n3A : i32
          %select_n3A_278 = arith.constant 0 : i32
          %select_n3A_279 = arith.select %eq3A_277, %select_n3A_278, %select_n3A_276 : i32
          %add3A_280 = arith.addi %select_n3A_279, %select_n3A_19 : i32
          %add3A_281 = arith.constant 0 : i32
          %add3A_282 = arith.addi %select_n3A_273, %add3A_281 : i32
          %ne3A = arith.cmpi ne, %add3A_227, %add3A_263 : i32
          %ne3A_283 = arith.cmpi ne, %add3A_229, %add3A_265 : i32
          %or3A = arith.constant false
          %or3A_284 = arith.ori %or3A, %ne3A : i1
          %or3A_285 = arith.ori %or3A_284, %ne3A_283 : i1
          %sub3A_286 = arith.constant 2 : i32
          %sub3A_287 = arith.subi %mul3A_221, %sub3A_286 : i32
          %add3A_288 = arith.constant 1 : i32
          %add3A_289 = arith.addi %sub3A_287, %add3A_288 : i32
          %ge3A = arith.cmpi sge, %while3A_213, %add3A_289 : i32
          %not3A = arith.constant true
          %not3A_290 = arith.xori %ge3A, %not3A : i1
          %and3A = arith.andi %or3A_285, %not3A_290 : i1
          %convert_element_type3A_291 = arith.extui %and3A : i1 to i32
          %cond3A_292 = arith.constant 0 : i32
          %cond3A_293 = arith.cmpi ne, %convert_element_type3A_291, %cond3A_292 : i32
          scf.if %cond3A_293 {
            "tpu.trace_start"() <{level = 10 : i32, message = "ep_copy_in"}> : () -> ()
            %rem3A_361 = arith.constant 2 : i32
            %rem3A_362 = arith.remui %while3A_214, %rem3A_361 : i32
            %mul3A_363 = arith.constant 8 : i32
            %mul3A_364 = arith.muli %mul3A_363, %add3A_263 : i32
            %mul3A_365 = arith.constant 3584 : i32
            %mul3A_366 = arith.muli %mul3A_365, %add3A_265 : i32
            %dma_start3A_367 = arith.constant 0 : i32
            %dma_start3A_368 = arith.constant 0 : i32
            %dma_start3A_369 = tpu.memref_slice %run_scoped3A[%rem3A_362, %dma_start3A_367, %dma_start3A_368] : memref<2x8x3584xf32, #tpu.memory_space<vmem>> -> memref<1x8x3584xf32, #tpu.memory_space<vmem>>
            %dma_start3A_370 = tpu.memref_squeeze %dma_start3A_369 : memref<1x8x3584xf32, #tpu.memory_space<vmem>> -> memref<8x3584xf32, #tpu.memory_space<vmem>>
            %dma_start3A_371 = tpu.memref_slice %arg2[%mul3A_364, %mul3A_366] : memref<192x50176xf32, #tpu.memory_space<hbm>> -> memref<8x3584xf32, #tpu.memory_space<hbm>>
            %dma_start3A_372 = tpu.memref_slice %run_scoped3A_27[%rem3A_362] : memref<2x!tpu.dma_semaphore, #tpu.memory_space<semaphore_mem>> -> memref<1x!tpu.dma_semaphore, #tpu.memory_space<semaphore_mem>>
            %dma_start3A_373 = tpu.memref_squeeze %dma_start3A_372 : memref<1x!tpu.dma_semaphore, #tpu.memory_space<semaphore_mem>> -> memref<!tpu.dma_semaphore, #tpu.memory_space<semaphore_mem>>
            %dma_start3A_374 = arith.constant 0 : i32
            %dma_start3A_375 = arith.constant 0 : i32
            %dma_start3A_376 = tpu.memref_slice %run_scoped3A[%rem3A_362, %dma_start3A_374, %dma_start3A_375] : memref<2x8x3584xf32, #tpu.memory_space<vmem>> -> memref<1x8x3584xf32, #tpu.memory_space<vmem>>
            %dma_start3A_377 = tpu.memref_squeeze %dma_start3A_376 : memref<1x8x3584xf32, #tpu.memory_space<vmem>> -> memref<8x3584xf32, #tpu.memory_space<vmem>>
            %dma_start3A_378 = tpu.memref_slice %arg2[%mul3A_364, %mul3A_366] : memref<192x50176xf32, #tpu.memory_space<hbm>> -> memref<8x3584xf32, #tpu.memory_space<hbm>>
            tpu.enqueue_dma source(%dma_start3A_378 : memref<8x3584xf32, #tpu.memory_space<hbm>>) target(%dma_start3A_377 : memref<8x3584xf32, #tpu.memory_space<vmem>>) target_semaphore(%dma_start3A_373 : memref<!tpu.dma_semaphore, #tpu.memory_space<semaphore_mem>>)
            "tpu.trace_stop"() : () -> ()
          } else {
          }
          %and3A_294 = arith.constant true
          %and3A_295 = arith.andi %and3A, %and3A_294 : i1
          %add3A_296 = arith.constant 1 : i32
          %add3A_297 = arith.addi %while3A_214, %add3A_296 : i32
          %select_n3A_298 = arith.select %and3A_295, %add3A_297, %while3A_214 : i32
          %ne3A_299 = arith.cmpi ne, %add3A_227, %add3A_246 : i32
          %ne3A_300 = arith.cmpi ne, %add3A_229, %add3A_248 : i32
          %or3A_301 = arith.constant false
          %or3A_302 = arith.ori %or3A_301, %ne3A_299 : i1
          %or3A_303 = arith.ori %or3A_302, %ne3A_300 : i1
          %or3A_304 = arith.ori %or3A_303, %eq3A_223 : i1
          %convert_element_type3A_305 = arith.extui %or3A_304 : i1 to i32
          %cond3A_306 = arith.constant 0 : i32
          %cond3A_307 = arith.cmpi ne, %convert_element_type3A_305, %cond3A_306 : i32
          scf.if %cond3A_307 {
            "tpu.trace_start"() <{level = 10 : i32, message = "ep_wait_in"}> : () -> ()
            %mul3A_361 = arith.constant 8 : i32
            %mul3A_362 = arith.muli %mul3A_361, %add3A_227 : i32
            %mul3A_363 = arith.constant 3584 : i32
            %mul3A_364 = arith.muli %mul3A_363, %add3A_229 : i32
            %rem3A_365 = arith.constant 2 : i32
            %rem3A_366 = arith.remui %while3A_215, %rem3A_365 : i32
            %dma_wait3A = arith.constant 0 : i32
            %dma_wait3A_367 = arith.constant 0 : i32
            %dma_wait3A_368 = tpu.memref_slice %run_scoped3A[%rem3A_366, %dma_wait3A, %dma_wait3A_367] : memref<2x8x3584xf32, #tpu.memory_space<vmem>> -> memref<1x8x3584xf32, #tpu.memory_space<vmem>>
            %dma_wait3A_369 = tpu.memref_squeeze %dma_wait3A_368 : memref<1x8x3584xf32, #tpu.memory_space<vmem>> -> memref<8x3584xf32, #tpu.memory_space<vmem>>
            %dma_wait3A_370 = tpu.memref_slice %arg2[%mul3A_362, %mul3A_364] : memref<192x50176xf32, #tpu.memory_space<hbm>> -> memref<8x3584xf32, #tpu.memory_space<hbm>>
            %dma_wait3A_371 = tpu.memref_slice %run_scoped3A_27[%rem3A_366] : memref<2x!tpu.dma_semaphore, #tpu.memory_space<semaphore_mem>> -> memref<1x!tpu.dma_semaphore, #tpu.memory_space<semaphore_mem>>
            %dma_wait3A_372 = tpu.memref_squeeze %dma_wait3A_371 : memref<1x!tpu.dma_semaphore, #tpu.memory_space<semaphore_mem>> -> memref<!tpu.dma_semaphore, #tpu.memory_space<semaphore_mem>>
            %dma_wait3A_373 = arith.constant 0 : i32
            %dma_wait3A_374 = arith.constant 0 : i32
            %dma_wait3A_375 = tpu.memref_slice %run_scoped3A[%rem3A_366, %dma_wait3A_373, %dma_wait3A_374] : memref<2x8x3584xf32, #tpu.memory_space<vmem>> -> memref<1x8x3584xf32, #tpu.memory_space<vmem>>
            %dma_wait3A_376 = tpu.memref_squeeze %dma_wait3A_375 : memref<1x8x3584xf32, #tpu.memory_space<vmem>> -> memref<8x3584xf32, #tpu.memory_space<vmem>>
            %dma_wait3A_377 = tpu.memref_slice %arg2[%mul3A_362, %mul3A_364] : memref<192x50176xf32, #tpu.memory_space<hbm>> -> memref<8x3584xf32, #tpu.memory_space<hbm>>
            tpu.wait_dma2 semaphore(%dma_wait3A_372 : memref<!tpu.dma_semaphore, #tpu.memory_space<semaphore_mem>>) src(%dma_wait3A_377 : memref<8x3584xf32, #tpu.memory_space<hbm>>) dst(%dma_wait3A_376 : memref<8x3584xf32, #tpu.memory_space<vmem>>)
            "tpu.trace_stop"() : () -> ()
          } else {
          }
          %rem3A_308 = arith.constant 2 : i32
          %rem3A_309 = arith.remui %while3A_215, %rem3A_308 : i32
          "tpu.trace_start"() <{level = 10 : i32, message = "ep_run_kernel"}> : () -> ()
          %scan3A = arith.constant 0 : i32
          %scan3A_310 = arith.constant 8 : i32
          %scan3A_311 = arith.addi %scan3A, %scan3A_310 : i32
          %scan3A_312 = arith.constant 1 : i32
          scf.for %scan3A_361 = %scan3A to %scan3A_311 step %scan3A_312  : i32 {
            %mul3A_362 = arith.constant 1 : i32
            %mul3A_363 = arith.muli %scan3A_361, %mul3A_362 : i32
            %add3A_364 = arith.constant 0 : i32
            %add3A_365 = arith.addi %add3A_364, %mul3A_363 : i32
            %scan3A_366 = arith.constant 0 : i32
            %scan3A_367 = arith.constant 56 : i32
            %scan3A_368 = arith.addi %scan3A_366, %scan3A_367 : i32
            %scan3A_369 = arith.constant 1 : i32
            scf.for %scan3A_371 = %scan3A_366 to %scan3A_368 step %scan3A_369  : i32 {
              %mul3A_372 = arith.constant 64 : i32
              %mul3A_373 = arith.muli %scan3A_371, %mul3A_372 : i32
              %add3A_374 = arith.constant 0 : i32
              %add3A_375 = arith.addi %add3A_374, %mul3A_373 : i32
              %get3A = arith.constant 0 : index
              %get3A_376 = arith.constant 0 : index
              %get3A_377 = tpu.vector_load %arg4[%get3A, %get3A_376] {strides = array<i32>} : memref<1x16xf32, #tpu.memory_space<vmem>>, vector<1x16xf32>,
              %get3A_378 = vector.shape_cast %get3A_377 : vector<1x16xf32> to vector<1x16xf32>
              %get3A_379 = arith.constant 0 : i32
              %get3A_380 = arith.constant 0 : i32
              %get3A_381 = tpu.memref_slice %run_scoped3A[%rem3A_309, %get3A_379, %get3A_380] : memref<2x8x3584xf32, #tpu.memory_space<vmem>> -> memref<1x8x3584xf32, #tpu.memory_space<vmem>>
              %get3A_382 = tpu.memref_squeeze %get3A_381 : memref<1x8x3584xf32, #tpu.memory_space<vmem>> -> memref<8x3584xf32, #tpu.memory_space<vmem>>
              %get3A_383 = arith.index_cast %add3A_365 : i32 to index
              %get3A_384 = arith.index_cast %add3A_375 : i32 to index
              %get3A_385 = tpu.vector_load %get3A_382[%get3A_383, %get3A_384] {strides = array<i32>} : memref<8x3584xf32, #tpu.memory_space<vmem>>, vector<1x16xf32>,
              %get3A_386 = vector.shape_cast %get3A_385 : vector<1x16xf32> to vector<1x16xf32>
              %add3A_387 = arith.addf %get3A_378, %get3A_386 : vector<1x16xf32>
              %swap3A_388 = arith.constant 0 : index
              %swap3A_389 = arith.constant 0 : index
              %swap3A_390 = tpu.vector_load %arg4[%swap3A_388, %swap3A_389] {strides = array<i32>} : memref<1x16xf32, #tpu.memory_space<vmem>>, vector<1x16xf32>,
              %swap3A_391 = vector.shape_cast %swap3A_390 : vector<1x16xf32> to vector<1x16xf32>
              %swap3A_392 = vector.shape_cast %add3A_387 : vector<1x16xf32> to vector<1x16xf32>
              tpu.vector_store %arg4[%swap3A_388, %swap3A_389], %swap3A_392 {strides = array<i32>} : memref<1x16xf32, #tpu.memory_space<vmem>>, vector<1x16xf32>,
            }
            %scan3A_370 = arith.constant 56 : i32
          }
          %scan3A_313 = arith.constant 8 : i32
          "tpu.trace_stop"() : () -> ()
          %ne3A_314 = arith.cmpi ne, %add3A_227, %add3A_263 : i32
          %ne3A_315 = arith.cmpi ne, %add3A_229, %add3A_265 : i32
          %or3A_316 = arith.constant false
          %or3A_317 = arith.ori %or3A_316, %ne3A_314 : i1
          %or3A_318 = arith.ori %or3A_317, %ne3A_315 : i1
          %or3A_319 = arith.ori %or3A_318, %eq3A_226 : i1
          %convert_element_type3A_320 = arith.extui %or3A_319 : i1 to i32
          %cond3A_321 = arith.constant 0 : i32
          %cond3A_322 = arith.cmpi ne, %convert_element_type3A_320, %cond3A_321 : i32
          scf.if %cond3A_322 {
          } else {
          }
          %and3A_323 = arith.constant false
          %and3A_324 = arith.andi %or3A_319, %and3A_323 : i1
          %ne3A_325 = arith.cmpi ne, %add3A_227, %add3A_246 : i32
          %ne3A_326 = arith.cmpi ne, %add3A_229, %add3A_248 : i32
          %or3A_327 = arith.constant false
          %or3A_328 = arith.ori %or3A_327, %ne3A_325 : i1
          %or3A_329 = arith.ori %or3A_328, %ne3A_326 : i1
          %not3A_330 = arith.constant true
          %not3A_331 = arith.xori %eq3A_223, %not3A_330 : i1
          %and3A_332 = arith.andi %or3A_329, %not3A_331 : i1
          %convert_element_type3A_333 = arith.extui %and3A_332 : i1 to i32
          %cond3A_334 = arith.constant 0 : i32
          %cond3A_335 = arith.cmpi ne, %convert_element_type3A_333, %cond3A_334 : i32
          scf.if %cond3A_335 {
          } else {
          }
          %and3A_336 = arith.constant false
          %and3A_337 = arith.andi %and3A_332, %and3A_336 : i1
          %ne3A_338 = arith.cmpi ne, %add3A_227, %add3A_263 : i32
          %ne3A_339 = arith.cmpi ne, %add3A_229, %add3A_265 : i32
          %or3A_340 = arith.constant false
          %or3A_341 = arith.ori %or3A_340, %ne3A_338 : i1
          %or3A_342 = arith.ori %or3A_341, %ne3A_339 : i1
          %or3A_343 = arith.ori %or3A_342, %eq3A_226 : i1
          %add3A_344 = arith.constant 1 : i32
          %add3A_345 = arith.addi %while3A_215, %add3A_344 : i32
          %select_n3A_346 = arith.select %or3A_343, %add3A_345, %while3A_215 : i32
          %add3A_347 = arith.constant 1 : i32
          %add3A_348 = arith.addi %while3A_217, %add3A_347 : i32
          %select_n3A_349 = arith.constant true
          %select_n3A_350 = arith.select %select_n3A_349, %add3A_348, %while3A_217 : i32
          %eq3A_351 = arith.constant 14 : i32
          %eq3A_352 = arith.cmpi eq, %select_n3A_350, %eq3A_351 : i32
          %select_n3A_353 = arith.constant 0 : i32
          %select_n3A_354 = arith.select %eq3A_352, %select_n3A_353, %select_n3A_350 : i32
          %add3A_355 = arith.constant 1 : i32
          %add3A_356 = arith.addi %while3A_216, %add3A_355 : i32
          %select_n3A_357 = arith.select %eq3A_352, %add3A_356, %while3A_216 : i32
          %eq3A_358 = arith.cmpi eq, %select_n3A_357, %select_n3A : i32
          %select_n3A_359 = arith.constant 0 : i32
          %select_n3A_360 = arith.select %eq3A_358, %select_n3A_359, %select_n3A_357 : i32
          scf.yield %select_n3A_298, %select_n3A_346, %select_n3A_360, %select_n3A_354 : i32, i32, i32, i32
        }
        %sub3A_127 = arith.constant 1 : i32
        %sub3A_128 = arith.subi %while3A_126#3, %sub3A_127 : i32
        %select_n3A_129 = arith.constant true
        %select_n3A_130 = arith.select %select_n3A_129, %sub3A_128, %while3A_126#3 : i32
        %eq3A_131 = arith.constant -1 : i32
        %eq3A_132 = arith.cmpi eq, %select_n3A_130, %eq3A_131 : i32
        %select_n3A_133 = arith.constant 13 : i32
        %select_n3A_134 = arith.select %eq3A_132, %select_n3A_133, %select_n3A_130 : i32
        %sub3A_135 = arith.constant 1 : i32
        %sub3A_136 = arith.subi %while3A_126#2, %sub3A_135 : i32
        %select_n3A_137 = arith.select %eq3A_132, %sub3A_136, %while3A_126#2 : i32
        %eq3A_138 = arith.constant -1 : i32
        %eq3A_139 = arith.cmpi eq, %select_n3A_137, %eq3A_138 : i32
        %sub3A_140 = arith.constant 1 : i32
        %sub3A_141 = arith.subi %select_n3A, %sub3A_140 : i32
        %select_n3A_142 = arith.select %eq3A_139, %sub3A_141, %select_n3A_137 : i32
        %sub3A_143 = arith.constant 1 : i32
        %sub3A_144 = arith.subi %mul3A_23, %sub3A_143 : i32
        %mul3A_145 = arith.constant 1 : i32
        %mul3A_146 = arith.muli %mul3A_145, %select_n3A : i32
        %mul3A_147 = arith.constant 14 : i32
        %mul3A_148 = arith.muli %mul3A_146, %mul3A_147 : i32
        %eq3A_149 = arith.constant 0 : i32
        %eq3A_150 = arith.cmpi eq, %sub3A_144, %eq3A_149 : i32
        %sub3A_151 = arith.constant 1 : i32
        %sub3A_152 = arith.subi %mul3A_148, %sub3A_151 : i32
        %eq3A_153 = arith.cmpi eq, %sub3A_144, %sub3A_152 : i32
        %add3A_154 = arith.addi %select_n3A_142, %select_n3A_19 : i32
        %add3A_155 = arith.constant 0 : i32
        %add3A_156 = arith.addi %select_n3A_134, %add3A_155 : i32
        %sub3A_157 = arith.constant 1 : i32
        %sub3A_158 = arith.subi %select_n3A_134, %sub3A_157 : i32
        %select_n3A_159 = arith.constant true
        %select_n3A_160 = arith.select %select_n3A_159, %sub3A_158, %select_n3A_134 : i32
        %eq3A_161 = arith.constant -1 : i32
        %eq3A_162 = arith.cmpi eq, %select_n3A_160, %eq3A_161 : i32
        %select_n3A_163 = arith.constant 13 : i32
        %select_n3A_164 = arith.select %eq3A_162, %select_n3A_163, %select_n3A_160 : i32
        %sub3A_165 = arith.constant 1 : i32
        %sub3A_166 = arith.subi %select_n3A_142, %sub3A_165 : i32
        %select_n3A_167 = arith.select %eq3A_162, %sub3A_166, %select_n3A_142 : i32
        %eq3A_168 = arith.constant -1 : i32
        %eq3A_169 = arith.cmpi eq, %select_n3A_167, %eq3A_168 : i32
        %sub3A_170 = arith.constant 1 : i32
        %sub3A_171 = arith.subi %select_n3A, %sub3A_170 : i32
        %select_n3A_172 = arith.select %eq3A_169, %sub3A_171, %select_n3A_167 : i32
        %add3A_173 = arith.addi %select_n3A_172, %select_n3A_19 : i32
        %add3A_174 = arith.constant 0 : i32
        %add3A_175 = arith.addi %select_n3A_164, %add3A_174 : i32
        %add3A_176 = arith.constant 1 : i32
        %add3A_177 = arith.addi %select_n3A_134, %add3A_176 : i32
        %select_n3A_178 = arith.constant true
        %select_n3A_179 = arith.select %select_n3A_178, %add3A_177, %select_n3A_134 : i32
        %eq3A_180 = arith.constant 14 : i32
        %eq3A_181 = arith.cmpi eq, %select_n3A_179, %eq3A_180 : i32
        %select_n3A_182 = arith.constant 0 : i32
        %select_n3A_183 = arith.select %eq3A_181, %select_n3A_182, %select_n3A_179 : i32
        %add3A_184 = arith.constant 1 : i32
        %add3A_185 = arith.addi %select_n3A_142, %add3A_184 : i32
        %select_n3A_186 = arith.select %eq3A_181, %add3A_185, %select_n3A_142 : i32
        %eq3A_187 = arith.cmpi eq, %select_n3A_186, %select_n3A : i32
        %select_n3A_188 = arith.constant 0 : i32
        %select_n3A_189 = arith.select %eq3A_187, %select_n3A_188, %select_n3A_186 : i32
        %add3A_190 = arith.addi %select_n3A_189, %select_n3A_19 : i32
        %add3A_191 = arith.constant 0 : i32
        %add3A_192 = arith.addi %select_n3A_183, %add3A_191 : i32
        %add3A_193 = arith.constant 1 : i32
        %add3A_194 = arith.addi %select_n3A_183, %add3A_193 : i32
        %select_n3A_195 = arith.constant true
        %select_n3A_196 = arith.select %select_n3A_195, %add3A_194, %select_n3A_183 : i32
        %eq3A_197 = arith.constant 14 : i32
        %eq3A_198 = arith.cmpi eq, %select_n3A_196, %eq3A_197 : i32
        %select_n3A_199 = arith.constant 0 : i32
        %select_n3A_200 = arith.select %eq3A_198, %select_n3A_199, %select_n3A_196 : i32
        %add3A_201 = arith.constant 1 : i32
        %add3A_202 = arith.addi %select_n3A_189, %add3A_201 : i32
        %select_n3A_203 = arith.select %eq3A_198, %add3A_202, %select_n3A_189 : i32
        %eq3A_204 = arith.cmpi eq, %select_n3A_203, %select_n3A : i32
        %select_n3A_205 = arith.constant 0 : i32
        %select_n3A_206 = arith.select %eq3A_204, %select_n3A_205, %select_n3A_203 : i32
        %add3A_207 = arith.addi %select_n3A_206, %select_n3A_19 : i32
        %add3A_208 = arith.constant 0 : i32
        %add3A_209 = arith.addi %select_n3A_200, %add3A_208 : i32
        %convert_element_type3A_210 = arith.extui %eq3A_153 : i1 to i32
        %cond3A_211 = arith.constant 0 : i32
        %cond3A_212 = arith.cmpi ne, %convert_element_type3A_210, %cond3A_211 : i32
        scf.if %cond3A_212 {
        } else {
        }
      } else {
      }
      tpu.yield
    }) : () -> ()
    %mul3A_24 = arith.constant 2 : i32
    %mul3A_25 = arith.muli %arg1, %mul3A_24 : i32
    %add3A_26 = arith.addi %mul3A_25, %arg0 : i32
    "tpu.region"() ({
      %run_scoped3A = tpu.sem_alloc : memref<!tpu.dma_semaphore, #tpu.memory_space<semaphore_mem>>
      %dma_start3A = arith.constant 0 : i32
      %dma_start3A_27 = tpu.memref_slice %arg3[%add3A_26, %dma_start3A] : memref<32x16xf32, #tpu.memory_space<hbm>> -> memref<1x16xf32, #tpu.memory_space<hbm>>
      %dma_start3A_28 = arith.constant 0 : i32
      %dma_start3A_29 = tpu.memref_slice %arg3[%add3A_26, %dma_start3A_28] : memref<32x16xf32, #tpu.memory_space<hbm>> -> memref<1x16xf32, #tpu.memory_space<hbm>>
      tpu.enqueue_dma source(%arg4 : memref<1x16xf32, #tpu.memory_space<vmem>>) target(%dma_start3A_29 : memref<1x16xf32, #tpu.memory_space<hbm>>) target_semaphore(%run_scoped3A : memref<!tpu.dma_semaphore, #tpu.memory_space<semaphore_mem>>)
      %dma_wait3A = arith.constant 0 : i32
      %dma_wait3A_30 = tpu.memref_slice %arg3[%add3A_26, %dma_wait3A] : memref<32x16xf32, #tpu.memory_space<hbm>> -> memref<1x16xf32, #tpu.memory_space<hbm>>
      %dma_wait3A_31 = arith.constant 0 : i32
      %dma_wait3A_32 = tpu.memref_slice %arg3[%add3A_26, %dma_wait3A_31] : memref<32x16xf32, #tpu.memory_space<hbm>> -> memref<1x16xf32, #tpu.memory_space<hbm>>
      tpu.wait_dma2 semaphore(%run_scoped3A : memref<!tpu.dma_semaphore, #tpu.memory_space<semaphore_mem>>) src(%arg4 : memref<1x16xf32, #tpu.memory_space<vmem>>) dst(%dma_wait3A_32 : memref<1x16xf32, #tpu.memory_space<hbm>>)
      tpu.yield
    }) : () -> ()
    return
  }
}

</mosaic_0001>

<sc_bundles>
// kernel: kernel.3.cloned.1.call-start
scs
__scs_entry_jumppad:
0x0: {  	(pc) =	sbr.rel $0x88, $3  }
0x1: {  	(tag) =	ssettag $0x0;
	lr =	simm.s32 $0x1  }
0x2: {  	[smem:$0x3FA0] =	sst lr;
	_ =	strace $0xD0000000  }
0x3: {  	_ = 	snop  }
0x4: {  	_ = 	snop  }
0x5: {  	_ = 	snop  }
0x6: {  	_ = 	snop  }
0x7: {  	_ = 	snop  }
__scs_overlays_trampoline_lowered:
0x8: {  	[smem:$0x3FAF] =	sst s0  }
0x9: {  	[smem:$0x3FB0] =	sst s1  }
0xa: {  	[smem:$0x3FB1] =	sst s2  }
0xb: {  	[smem:$0x3FB2] =	sst s3  }
0xc: {  	[smem:$0x3FB3] =	sst s4  }
0xd: {  	[smem:$0x3FB4] =	sst s5  }
0xe: {  	[smem:$0x3FB5] =	sst s6  }
0xf: {  	[smem:$0x3FB6] =	sst s7  }
0x10: {  	[smem:$0x3FB7] =	sst s8  }
0x11: {  	[smem:$0x3FB8] =	sst s9;
	s0 =	simm.s32 @!p0 $0x0  }
0x12: {  	s1 =	sld [smem:$0x3F9E];
	s0 =	simm.s32 @p0 $0x1  }
0x13: {  	[smem:$0x3FB9] =	sst s0;
	s0 =	simm.s32 @!p1 $0x0  }
0x14: {  	s2 =	sld [smem:$0x3F9D];
	s0 =	simm.s32 @p1 $0x1  }
0x15: {  	[smem:$0x3FBA] =	sst s0;
	s0 =	simm.s32 @!p2 $0x0  }
0x16: {  	s3 =	sld [smem:$0x3FDB];
	s0 =	simm.s32 @p2 $0x1  }
0x17: {  	s4 =	simm.s32 $0x1BF5;
	[smem:$0x3FBC] =	sst s0  }
0x18: {  	s0 =	sld [smem:$0x3F9F];
	_ =	swait.ge [sflag:s4], $0x0  }
0x19: {  	s7 =	sld [smem:$0x3FA0]  }
0x1a: {  	s8 =	sadd.s32 $0xFFFFE003, lr  }
0x1b: {  	s9 =	sadd.s32 $0xFFFFFEF7, lr;
	s5 =	simm.s32 $0xFFFFFFFF;
	p2 =	slt.u32 s8, $0xFFFFF086  }
0x1c: {  	p1 =	slt.u32 s9, $0xF7A;
	s5 =	simm.s32 @!p2 $0x0  }
0x1d: {  	s5 =	simm.s32 @p1 $0x1;
	p0 =	seq.s32 s7, s2  }
0x1e: {  	s7 =	smul.u32 @!p0 $0xF7A, s2;
	p2 =	seq.s32 @!p0 s5, $0x0  }
0x1f: {  	s9 =	smul.u32 $0xF7A, s1;
	s8 =	simm.s32 @!p0 $0x1BF5;
	p2 =	por !p2, p0  }
0x20: {  	[sflag:s8] =	ssyncset.s32 @!p0 $0xFFFFF086;
	s6 =	sadd.s32 @!p0 s3, s7;
	s7 =	simm.s32 @!p0 $0x108  }
0x21: {  	s3 =	sadd.s32 s3, s9;
	s6 =	sadd.s32 @!p0 $0x88, s6;
	s7 =	simm.s32 @p2 $0x1082  }
0x22: {  	[simem:s7], [sflag:s8] =	dma.local @!p0 [hbm:s6], $0xF7A  }
0x23: {  	s9 =	sor.u32 $0xD0000000, s2;
	s6 =	simm.s32 $0x108;
	_ =	swait.ge @!p0 [sflag:s8], $0x0  }
0x24: {  	s3 =	sadd.s32 $0x88, s3;
	s6 =	simm.s32 @!p1 $0x1082;
	[sflag:s4] =	ssyncset.s32 $0xFFFFF086  }
0x25: {  	[simem:s6], [sflag:s4] =	dma.local [hbm:s3], $0xF7A  }
0x26: {  	[smem:$0x3FA0] =	sst s1;
	(tag) =	ssettag s2;
	_ =	strace s9  }
0x27: {  	s1 =	sld [smem:$0x3FB0]  }
0x28: {  	s2 =	sld [smem:$0x3FB1]  }
0x29: {  	s4 =	sld [smem:$0x3FB3]  }
0x2a: {  	p0 =	seq.s32 s5, $0x0;
	s5 =	sld [smem:$0x3FB4]  }
0x2b: {  	s6 =	sld [smem:$0x3FB5]  }
0x2c: {  	s7 =	sld [smem:$0x3FB6]  }
0x2d: {  	s3 =	simm.s32 $0x108;
	s8 =	sld [smem:$0x3FB7]  }
0x2e: {  	s3 =	simm.s32 @!p0 $0x1082;
	s9 =	sld [smem:$0x3FB8]  }
0x2f: {  	lr =	sadd.s32 s0, s3;
	s0 =	sld [smem:$0x3FAF]  }
0x30: {  	s3 =	sld [smem:$0x3FB2]  }
0x31: {  	[smem:$0x3FBB] =	sst s10  }
0x32: {  	s10 =	sld [smem:$0x3FB9];
	_ =	sdelay $0x3  }
0x33: {  	p0 =	seq.s32 s10, $0x1;
	s10 =	sld [smem:$0x3FBB];
	_ =	sdelay $0x3  }
0x34: {  	[smem:$0x3FBB] =	sst s10  }
0x35: {  	s10 =	sld [smem:$0x3FBA];
	_ =	sdelay $0x3  }
0x36: {  	p1 =	seq.s32 s10, $0x1;
	s10 =	sld [smem:$0x3FBB];
	_ =	sdelay $0x3  }
0x37: {  	[smem:$0x3FBB] =	sst s10  }
0x38: {  	s10 =	sld [smem:$0x3FBC]  }
0x39: {  	_ = 	snop;
	(pc) =	sbr.ind lr, $3  }
0x3a: {  	_ = 	snop  }
0x3b: {  	_ = 	snop  }
0x3c: {  	p2 =	seq.s32 s10, $0x1;
	s10 =	sld [smem:$0x3FBB]  }
0x3d: {  	_ =	shalt  }
0x3e: {  	_ =	shalt  }
0x3f: {  	_ =	shalt  }
0x40: {  	_ =	shalt  }
0x41: {  	_ =	shalt  }
0x42: {  	_ =	shalt  }
0x43: {  	_ =	shalt  }
0x44: {  	_ =	shalt  }
0x45: {  	_ =	shalt  }
0x46: {  	_ =	shalt  }
0x47: {  	_ =	shalt  }
0x48: {  	_ =	shalt  }
0x49: {  	_ =	shalt  }
0x4a: {  	_ =	shalt  }
0x4b: {  	_ =	shalt  }
0x4c: {  	_ =	shalt  }
0x4d: {  	_ =	shalt  }
0x4e: {  	_ =	shalt  }
0x4f: {  	_ =	shalt  }
0x50: {  	_ =	shalt  }
0x51: {  	_ =	shalt  }
0x52: {  	_ =	shalt  }
0x53: {  	_ =	shalt  }
0x54: {  	_ =	shalt  }
0x55: {  	_ =	shalt  }
0x56: {  	_ =	shalt  }
0x57: {  	_ =	shalt  }
0x58: {  	_ =	shalt  }
0x59: {  	_ =	shalt  }
0x5a: {  	_ =	shalt  }
0x5b: {  	_ =	shalt  }
0x5c: {  	_ =	shalt  }
0x5d: {  	_ =	shalt  }
0x5e: {  	_ =	shalt  }
0x5f: {  	_ =	shalt  }
0x60: {  	_ =	shalt  }
0x61: {  	_ =	shalt  }
0x62: {  	_ =	shalt  }
0x63: {  	_ =	shalt  }
0x64: {  	_ =	shalt  }
0x65: {  	_ =	shalt  }
0x66: {  	_ =	shalt  }
0x67: {  	_ =	shalt  }
0x68: {  	_ =	shalt  }
0x69: {  	_ =	shalt  }
0x6a: {  	_ =	shalt  }
0x6b: {  	_ =	shalt  }
0x6c: {  	_ =	shalt  }
0x6d: {  	_ =	shalt  }
0x6e: {  	_ =	shalt  }
0x6f: {  	_ =	shalt  }
0x70: {  	_ =	shalt  }
0x71: {  	_ =	shalt  }
0x72: {  	_ =	shalt  }
0x73: {  	_ =	shalt  }
0x74: {  	_ =	shalt  }
0x75: {  	_ =	shalt  }
0x76: {  	_ =	shalt  }
0x77: {  	_ =	shalt  }
0x78: {  	_ =	shalt  }
0x79: {  	_ =	shalt  }
0x7a: {  	_ =	shalt  }
0x7b: {  	_ =	shalt  }
0x7c: {  	_ =	shalt  }
0x7d: {  	_ =	shalt  }
0x7e: {  	_ =	shalt  }
0x7f: {  	_ =	shalt  }
0x80: {  	_ =	shalt  }
0x81: {  	_ =	shalt  }
0x82: {  	_ =	shalt  }
0x83: {  	_ =	shalt  }
0x84: {  	_ =	shalt  }
0x85: {  	_ =	shalt  }
0x86: {  	_ =	shalt  }
0x87: {  	_ =	shalt  }
.Lfunc_end0:
.L_simem_size_0:
called_computation_lowered:
.L_overlay_start_0:
0x88: {  	s2 =	sld [smem:$0x3FD9]  }
0x89: {  	s3 =	sld [smem:$0x3FFE];
	_ =	sdelay $0x1  }
0x8a: {  	s1 =	srdreg.scid  }
0x8b: {  	s0 =	sand.u32 $0x1, s1  }
0x8c: {  	s16 =	sshll.u32 s0, $0xA;
	s2 =	sadd.s32 s3, s2  }
0x8d: {  	s2 =	sadd.s32 s2, s16  }
0x8e: {  	[smem:$0x3FC7] =	sst s2  }
0x8f: {  	_ = 	snop  }
0x90: {  	(tm) =	ssettm $0x1  }
0x91: {  	s17 =	sld [smem:$0x3FFB];
	_ =	sdelay $0x3  }
0x92: {  	_ =	strace s17  }
0x93: {  	s2 =	sld [smem:$0x3FFC];
	_ =	sdelay $0x3  }
0x94: {  	_ =	strace s2  }
0x95: {  	s2 =	sld [smem:$0x3FFD];
	_ =	sdelay $0x3  }
0x96: {  	_ =	strace s2  }
0x97: {  	_ =	strace $0x8FFFFFFF  }
0x98: {  	s18 =	sld [smem:$0x3FDB];
	_ =	sdelay $0x1  }
0x99: {  	s19 =	simm.s32 $_scs_section_size  }
0x9a: {  	s4 =	simm.s32 $_size__tile_overlayer_lowered;
	s5 =	simm.s32 $_tile_overlayer_lowered  }
0x9b: {  	s22 =	simm.s32 $0x1BFF;
	s21 =	sshll.u32 s5, $0x1;
	s2 =	sadd.s32 s19, s18  }
0x9c: {  	s6 =	simm.s32 $0x0;
	s20 =	sshll.u32 s4, $0x1;
	s4 =	sadd.s32 s21, s2  }
0x9d: {  	[timem:s6], [sflag:s22] =	dma.local [hbm:s4], s20  }
0x9e: {  	_ =	swait.ge [sflag:s22], s20  }
0x9f: {  	s3 =	ssub.s32 $0x0, s20;
	[sflag:s22] =	ssyncset.done $0x0  }
0xa0: {  	[sflag:s22] =	ssyncadd.s32 s3;
	_ =	sdelay $0x1  }
0xa1: {  	s23 =	simm.s32 $0x1B8B  }
0xa2: {  	_ =	swait.ge [sflag:s23], $0x1  }
0xa3: {  	[sflag:s23] =	ssyncset.done $0x0  }
0xa4: {  	s25 =	simm.s32 $0x1B8E;
	s24 =	sld [smem:$0x3FFE];
	[sflag:s23] =	ssyncadd.s32 $0xFFFFFFFF  }
0xa5: {  	s26 =	simm.s32 $execute0_lowered;
	[smem:$0x3FD2] =	sst s25  }
0xa6: {  	s4 =	sshll.u32 s26, $0x1;
	_ =	strace $0x80000046;
	[dreg:$0x1] =	wrdreg $0xFFFFFFFF  }
0xa7: {  	s28 =	simm.s32 $_size_execute0_lowered;
	s2 =	sadd.s32 s2, s4;
	[dreg:$0x0] =	wrdreg $0x0  }
0xa8: {  	s4 =	sshll.u32 s28, $0x1;
	[dreg:$0x2] =	wrdreg s2  }
0xa9: {  	[dreg:$0x3] =	wrdreg s4  }
0xaa: {  	[dreg:$0x4] =	wrdreg $0xC0  }
0xab: {  	_ =	task [dreg:s6], $0x5FFFF  }
0xac: {  	[dreg:$0x1] =	wrdreg $0xFFFFFFFF  }
0xad: {  	[dreg:$0x0] =	wrdreg $0x60  }
0xae: {  	[dreg:$0x2] =	wrdreg s24  }
0xaf: {  	[dreg:$0x3] =	wrdreg $0x9  }
0xb0: {  	_ =	task.clear_ibuf [dreg:s6], $0x4FFFF;
	_ =	strace $0x90000046  }
0xb1: {  	s29 =	simm.s32 $0x9;
	_ =	strace $0x8000004C  }
0xb2: {  	_ =	swait.ge [sflag:s29], $0x1  }
0xb3: {  	[sflag:s29] =	ssyncadd.s32 $0xFFFFFFFF  }
0xb4: {  	_ =	strace $0x9000004C  }
0xb5: {  	_ =	sfence  }
0xb6: {  	s30 =	sld [smem:$0x0];
	_ =	sdelay $0x2  }
0xb7: {  	s31 =	sshll.u32 s1, $0xD;
	s1 =	sshrl.u32 s1, $0x2  }
0xb8: {  	s3 =	sand.u32 $0x4000, s31;
	s1 =	sadd.s32 s1, s30  }
0xb9: {  	s0 =	sor.u32 s3, s0;
	s1 =	sshll.u32 s1, $0x11  }
0xba: {  	s0 =	sor.u32 s1, s0  }
0xbb: {  	s0 =	sadd.s32 $0x8F2B, s0  }
0xbc: {  	[sflag:s0] =	ssyncadd.remote.s32 $0x1  }
0xbd: {  	_ =	sfence.sel $0xFFFF  }
0xbe: {  	[dreg:$0x0] =	wrdreg $0xFFFFFFFF;
	(pc) =	sbr.abs _section_cstart, $3  }
0xbf: {  	[dreg:$0x1] =	wrdreg $0xFFFFFFFF  }
0xc0: {  	_ =	task.clear_ibuf [dreg:s6], $0x2FFFF;
	_ =	strace $0x9FFFFFFF  }
0xc1: {  	(tm) =	ssettm $0x7FFFFFFF  }
tec
execute0_lowered:
.L_overlay_start_1:
0x0: {  	(tag) =	ssettag $0x1  }
0x1: {  	s9 =	rddreg [dreg:$0x0]  }
0x2: {  	s1 =	srdreg.scid;
	s0 =	rddreg [dreg:$0x1];
	s2 =	simm.s32 $0x0  }
0x3: {  	s13 =	simm.s32 $0xE;
	s3 =	sand.u32 $0x1, s1;
	[smem:$0x7FF] =	sst s2  }
0x4: {  	s1 =	stileid.u32;
	s10 =	sshll.u32 s3, $0x4;
	_ =	strace $0x80000047  }
0x5: {  	s5 =	ssub.s32 $0x2, s3;
	s3 =	sadd.s32 $0x498000, s9;
	s14 =	sshll.u32 s1, $0x5  }
0x6: {  	s12 =	sor.u32 s1, s10;
	s6 =	sshrl.u32 s5, $0x1;
	s9 =	sadd.s32 s9, s10  }
0x7: {  	s4 =	smin.u32 s12, $0x18;
	s11 =	ssub.s32 s5, s6;
	p0 =	slt.u32 s12, $0x18  }
.Ltmp0:
0x8: {  	s5 =	simm.s32 $0x1;
	s6 =	simm.s32 $0x1;
	(pc) =	sbr.rel .LBB2_1-.Ltmp0, $4  }
0x9: {  	s9 =	sadd.s32 s14, s9;
	s14 =	simm.s32 $0x0;
	s7 =	smul.u32 $0xC400, s4  }
0xa: {  	s6 =	simm.s32 @!p0 $0x0;
	s13 =	simm.s32 @!p0 $0x0;
	s11 =	smax.u32 s11, $0x1  }
0xb: {  	p0 =	sgt.u32 s12, $0x17;
	s12 =	simm.s32 $0x80;
	s8 =	sadd.s32 $0xFFFFFFFF, s13  }
0xc: {  	v0 =	vimm.f32 $0.0e+00;
	s10 =	smax.u32 s13, $0x1;
	s13 =	simm.s32 $0x0;
	s7 =	sadd.s32 s3, s7  }
.LBB2_20:
0xd: {  	s13 =	sadd.s32 $0x1, s13  }
0xe: {  	p1 =	sne.s32 s13, s11  }
.Ltmp1:
0xf: {  	_ = 	snop;
	(pc) =	sbr.rel @!p1 .LBB2_21-.Ltmp1, $4  }
0x10: {  	[hbm4b:s9+s2] =	stream.linear.scatter [tilespmem:s2], [sflag:$0x1], $0x80, $0x38;
	[tilespmem:$0xE080] =	vst v63  }
0x11: {  	_ =	swait.ge [sflag:s5], $0x80  }
0x12: {  	[sflag:s5] =	ssyncset.done $0x0  }
0x13: {  	[sflag:s5] =	ssyncadd.s32 $0xFFFFFF80  }
.LBB2_1:
.Ltmp2:
0x14: {  	(pc) =	sbr.rel @p0 .LBB2_20-.Ltmp2, $2  }
0x15: {  	_ =	sdelay $0x2  }
0x16: {  	[tilespmem:$0x0] =	vst v0  }
0x17: {  	_ =	strace $0x80000048  }
0x18: {  	s15 =	simm.s32 $0x1;
	s16 =	simm.s32 $0x0;
	s18 =	simm.s32 $0x0  }
0x19: {  	[tilespmem:s12], [sflag:$0x1] =	stream.linear.gather [hbm4b:s7+s14], $0x7000, $0x200038;
	[tilespmem:$0xE080] =	vst v63  }
0x1a: {  	s17 =	simm.s32 $0x0;
	s19 =	simm.s32 $0x0;
	_ =	strace $0x90000048  }
.LBB2_3:
0x1b: {  	s20 =	smov.u32 s16;
	s16 =	sadd.s32 $0x1, s16  }
0x1c: {  	s21 =	simm.s32 $0x1;
	p1 =	seq.s32 s16, $0xE  }
0x1d: {  	s21 =	simm.s32 @!p1 $0x0  }
0x1e: {  	s22 =	smov.u32 s18;
	s18 =	sadd.s32 s21, s18  }
0x1f: {  	p2 =	seq.s32 s18, s6  }
0x20: {  	s16 =	simm.s32 @p1 $0x0;
	s18 =	simm.s32 @p2 $0x0  }
0x21: {  	p5 =	sne.s32 s20, s16;
	p4 =	sne.s32 s22, s18  }
0x22: {  	p6 =	slt.s32 s19, s8;
	p2 =	por p5, p4  }
0x23: {  	p1 =	por !p6, !p2  }
0x24: {  	p1 =	por !p1, !p1  }
0x25: {  	s20 =	sadd.s32 @p1 s4, s18;
	s21 =	smul.u32 @p1 $0x7000, s16  }
0x26: {  	s22 =	sand.u32 @p1 $0x1, s15;
	s20 =	smul.u32 @p1 $0x62000, s20  }
0x27: {  	s23 =	smul.u32 @p1 $0x1C000, s22  }
0x28: {  	_ =	strace @p1 $0x80000049;
	s20 =	sadd.s32 @p1 s21, s20  }
0x29: {  	s22 =	sadd.s32 @p1 $0x1, s22;
	s21 =	sshrl.u32 @p1 s23, $0x2;
	s20 =	sshrl.u32 @p1 s20, $0x3  }
0x2a: {  	s23 =	simm.s32 @p1 $0x0;
	s21 =	sor.u32 @p1 $0x80, s21;
	s20 =	sadd.s32 @p1 s3, s20  }
0x2b: {  	[tilespmem:s21], [sflag:s22] =	stream.linear.gather @p1 [hbm4b:s20+s23], $0x7000, $0x200038;
	[tilespmem:$0xE080] =	vst v63  }
0x2c: {  	s28 =	sand.u32 $0x1, s17;
	_ =	strace @p1 $0x90000049  }
0x2d: {  	s29 =	sadd.s32 $0x1, s28;
	_ =	strace $0x8000004A  }
0x2e: {  	_ =	swait.ge [sflag:s29], $0x7000  }
0x2f: {  	p3 =	seq.s32 s28, $0x1;
	s20 =	simm.s32 $0x7000;
	[sflag:s29] =	ssyncset.done $0x0  }
0x30: {  	s20 =	simm.s32 @!p3 $0x0;
	[sflag:s29] =	ssyncadd.s32 $0xFFFF9000  }
0x31: {  	s30 =	sand.u32 $0x7C00, s14;
	s21 =	sor.u32 $0x80, s20;
	_ =	strace $0x9000004A  }
0x32: {  	s31 =	sand.u32 $0x40, s14;
	s22 =	sadd.s32 s30, s21;
	_ =	strace $0x8000004B  }
0x33: {  	s22 =	sadd.s32 s31, s22;
	v1 =	vld [tilespmem:$0x0]  }
0x34: {  	v2 =	vld [tilespmem:s22+$0x0];
	_ =	sdelay $0x3  }
0x35: {  	s22 =	simm.s32 $0x200  }
0x36: {  	s24 =	simm.s32 $0x40;
	s23 =	simm.s32 $0x80;
	s25 =	sand.u32 $0x7C00, s22;
	v1 =	vadd.f32 v2, v1  }
.LBB2_4:
0x37: {  	p3 =	sne.s32 s23, $0xDC0;
	s24 =	sand.u32 $0x40, s24;
	s25 =	sadd.s32 s25, s21  }
0x38: {  	s25 =	sadd.s32 s24, s25;
	[tilespmem:$0x0] =	vst v1;
	s24 =	smov.u32 s23  }
0x39: {  	v2 =	vld [tilespmem:s25+$0x0]  }
.Ltmp3:
0x3a: {  	(pc) =	sbr.rel @p3 .LBB2_4-.Ltmp3, $3  }
0x3b: {  	_ =	sdelay $0x1  }
0x3c: {  	s22 =	sadd.s32 $0x200, s22  }
0x3d: {  	s23 =	sadd.s32 $0x40, s23;
	s25 =	sand.u32 $0x7C00, s22;
	v1 =	vadd.f32 v2, v1  }
0x3e: {  	s22 =	sand.u32 $0x40, s24;
	s21 =	sadd.s32 s25, s21  }
0x3f: {  	s21 =	sadd.s32 s22, s21;
	[tilespmem:$0x0] =	vst v1  }
0x40: {  	v2 =	vld [tilespmem:s21+$0x0];
	_ =	sdelay $0x3  }
0x41: {  	s31 =	simm.s32 $0x0  }
0x42: {  	s23 =	sand.u32 $0x7C00, s31;
	s21 =	sadd.s32 $0x100, s20;
	v1 =	vadd.f32 v2, v1  }
0x43: {  	s22 =	sand.u32 $0x40, s31;
	s23 =	sadd.s32 s23, s21  }
0x44: {  	s22 =	sadd.s32 s22, s23;
	[tilespmem:$0x0] =	vst v1  }
0x45: {  	v2 =	vld [tilespmem:s22+$0x0];
	_ =	sdelay $0x3  }
0x46: {  	s22 =	simm.s32 $0x200  }
0x47: {  	s24 =	simm.s32 $0x40;
	s23 =	simm.s32 $0x80;
	s25 =	sand.u32 $0x7C00, s22;
	v1 =	vadd.f32 v2, v1  }
.LBB2_6:
0x48: {  	p3 =	sne.s32 s23, $0xDC0;
	s24 =	sand.u32 $0x40, s24;
	s25 =	sadd.s32 s25, s21  }
0x49: {  	s25 =	sadd.s32 s24, s25;
	[tilespmem:$0x0] =	vst v1;
	s24 =	smov.u32 s23  }
0x4a: {  	v2 =	vld [tilespmem:s25+$0x0]  }
.Ltmp4:
0x4b: {  	(pc) =	sbr.rel @p3 .LBB2_6-.Ltmp4, $3  }
0x4c: {  	_ =	sdelay $0x1  }
0x4d: {  	s22 =	sadd.s32 $0x200, s22  }
0x4e: {  	s23 =	sadd.s32 $0x40, s23;
	s25 =	sand.u32 $0x7C00, s22;
	v1 =	vadd.f32 v2, v1  }
0x4f: {  	s22 =	sand.u32 $0x40, s24;
	s21 =	sadd.s32 s25, s21  }
0x50: {  	s21 =	sadd.s32 s22, s21;
	[tilespmem:$0x0] =	vst v1  }
0x51: {  	v2 =	vld [tilespmem:s21+$0x0];
	_ =	sdelay $0x3  }
0x52: {  	s31 =	simm.s32 $0x0  }
0x53: {  	s23 =	sand.u32 $0x7C00, s31;
	s21 =	sadd.s32 $0x180, s20;
	v1 =	vadd.f32 v2, v1  }
0x54: {  	s22 =	sand.u32 $0x40, s31;
	s23 =	sadd.s32 s23, s21  }
0x55: {  	s22 =	sadd.s32 s22, s23;
	[tilespmem:$0x0] =	vst v1  }
0x56: {  	v2 =	vld [tilespmem:s22+$0x0];
	_ =	sdelay $0x3  }
0x57: {  	s22 =	simm.s32 $0x200  }
0x58: {  	s24 =	simm.s32 $0x40;
	s23 =	simm.s32 $0x80;
	s25 =	sand.u32 $0x7C00, s22;
	v1 =	vadd.f32 v2, v1  }
.LBB2_8:
0x59: {  	p3 =	sne.s32 s23, $0xDC0;
	s24 =	sand.u32 $0x40, s24;
	s25 =	sadd.s32 s25, s21  }
0x5a: {  	s25 =	sadd.s32 s24, s25;
	[tilespmem:$0x0] =	vst v1;
	s24 =	smov.u32 s23  }
0x5b: {  	v2 =	vld [tilespmem:s25+$0x0]  }
.Ltmp5:
0x5c: {  	(pc) =	sbr.rel @p3 .LBB2_8-.Ltmp5, $3  }
0x5d: {  	_ =	sdelay $0x1  }
0x5e: {  	s22 =	sadd.s32 $0x200, s22  }
0x5f: {  	s23 =	sadd.s32 $0x40, s23;
	s25 =	sand.u32 $0x7C00, s22;
	v1 =	vadd.f32 v2, v1  }
0x60: {  	s22 =	sand.u32 $0x40, s24;
	s21 =	sadd.s32 s25, s21  }
0x61: {  	s21 =	sadd.s32 s22, s21;
	[tilespmem:$0x0] =	vst v1  }
0x62: {  	v2 =	vld [tilespmem:s21+$0x0];
	_ =	sdelay $0x3  }
0x63: {  	s31 =	simm.s32 $0x0  }
0x64: {  	s23 =	sand.u32 $0x7C00, s31;
	s21 =	sadd.s32 $0x200, s20;
	v1 =	vadd.f32 v2, v1  }
0x65: {  	s22 =	sand.u32 $0x40, s31;
	s23 =	sadd.s32 s23, s21  }
0x66: {  	s22 =	sadd.s32 s22, s23;
	[tilespmem:$0x0] =	vst v1  }
0x67: {  	v2 =	vld [tilespmem:s22+$0x0];
	_ =	sdelay $0x3  }
0x68: {  	s22 =	simm.s32 $0x200  }
0x69: {  	s24 =	simm.s32 $0x40;
	s23 =	simm.s32 $0x80;
	s25 =	sand.u32 $0x7C00, s22;
	v1 =	vadd.f32 v2, v1  }
.LBB2_10:
0x6a: {  	p3 =	sne.s32 s23, $0xDC0;
	s24 =	sand.u32 $0x40, s24;
	s25 =	sadd.s32 s25, s21  }
0x6b: {  	s25 =	sadd.s32 s24, s25;
	[tilespmem:$0x0] =	vst v1;
	s24 =	smov.u32 s23  }
0x6c: {  	v2 =	vld [tilespmem:s25+$0x0]  }
.Ltmp6:
0x6d: {  	(pc) =	sbr.rel @p3 .LBB2_10-.Ltmp6, $3  }
0x6e: {  	_ =	sdelay $0x1  }
0x6f: {  	s22 =	sadd.s32 $0x200, s22  }
0x70: {  	s23 =	sadd.s32 $0x40, s23;
	s25 =	sand.u32 $0x7C00, s22;
	v1 =	vadd.f32 v2, v1  }
0x71: {  	s22 =	sand.u32 $0x40, s24;
	s21 =	sadd.s32 s25, s21  }
0x72: {  	s21 =	sadd.s32 s22, s21;
	[tilespmem:$0x0] =	vst v1  }
0x73: {  	v2 =	vld [tilespmem:s21+$0x0];
	_ =	sdelay $0x3  }
0x74: {  	s31 =	simm.s32 $0x0  }
0x75: {  	s23 =	sand.u32 $0x7C00, s31;
	s21 =	sadd.s32 $0x280, s20;
	v1 =	vadd.f32 v2, v1  }
0x76: {  	s22 =	sand.u32 $0x40, s31;
	s23 =	sadd.s32 s23, s21  }
0x77: {  	s22 =	sadd.s32 s22, s23;
	[tilespmem:$0x0] =	vst v1  }
0x78: {  	v2 =	vld [tilespmem:s22+$0x0];
	_ =	sdelay $0x3  }
0x79: {  	s22 =	simm.s32 $0x200  }
0x7a: {  	s24 =	simm.s32 $0x40;
	s23 =	simm.s32 $0x80;
	s25 =	sand.u32 $0x7C00, s22;
	v1 =	vadd.f32 v2, v1  }
.LBB2_12:
0x7b: {  	p3 =	sne.s32 s23, $0xDC0;
	s24 =	sand.u32 $0x40, s24;
	s25 =	sadd.s32 s25, s21  }
0x7c: {  	s25 =	sadd.s32 s24, s25;
	[tilespmem:$0x0] =	vst v1;
	s24 =	smov.u32 s23  }
0x7d: {  	v2 =	vld [tilespmem:s25+$0x0]  }
.Ltmp7:
0x7e: {  	(pc) =	sbr.rel @p3 .LBB2_12-.Ltmp7, $3  }
0x7f: {  	_ =	sdelay $0x1  }
0x80: {  	s22 =	sadd.s32 $0x200, s22  }
0x81: {  	s23 =	sadd.s32 $0x40, s23;
	s25 =	sand.u32 $0x7C00, s22;
	v1 =	vadd.f32 v2, v1  }
0x82: {  	s22 =	sand.u32 $0x40, s24;
	s21 =	sadd.s32 s25, s21  }
0x83: {  	s21 =	sadd.s32 s22, s21;
	[tilespmem:$0x0] =	vst v1  }
0x84: {  	v2 =	vld [tilespmem:s21+$0x0];
	_ =	sdelay $0x3  }
0x85: {  	s31 =	simm.s32 $0x0  }
0x86: {  	s23 =	sand.u32 $0x7C00, s31;
	s21 =	sadd.s32 $0x300, s20;
	v1 =	vadd.f32 v2, v1  }
0x87: {  	s22 =	sand.u32 $0x40, s31;
	s23 =	sadd.s32 s23, s21  }
0x88: {  	s22 =	sadd.s32 s22, s23;
	[tilespmem:$0x0] =	vst v1  }
0x89: {  	v2 =	vld [tilespmem:s22+$0x0];
	_ =	sdelay $0x3  }
0x8a: {  	s22 =	simm.s32 $0x200  }
0x8b: {  	s24 =	simm.s32 $0x40;
	s23 =	simm.s32 $0x80;
	s25 =	sand.u32 $0x7C00, s22;
	v1 =	vadd.f32 v2, v1  }
.LBB2_14:
0x8c: {  	p3 =	sne.s32 s23, $0xDC0;
	s24 =	sand.u32 $0x40, s24;
	s25 =	sadd.s32 s25, s21  }
0x8d: {  	s25 =	sadd.s32 s24, s25;
	[tilespmem:$0x0] =	vst v1;
	s24 =	smov.u32 s23  }
0x8e: {  	v2 =	vld [tilespmem:s25+$0x0]  }
.Ltmp8:
0x8f: {  	(pc) =	sbr.rel @p3 .LBB2_14-.Ltmp8, $3  }
0x90: {  	_ =	sdelay $0x1  }
0x91: {  	s22 =	sadd.s32 $0x200, s22  }
0x92: {  	s23 =	sadd.s32 $0x40, s23;
	s25 =	sand.u32 $0x7C00, s22;
	v1 =	vadd.f32 v2, v1  }
0x93: {  	s22 =	sand.u32 $0x40, s24;
	s21 =	sadd.s32 s25, s21  }
0x94: {  	s21 =	sadd.s32 s22, s21;
	[tilespmem:$0x0] =	vst v1  }
0x95: {  	v2 =	vld [tilespmem:s21+$0x0];
	_ =	sdelay $0x3  }
0x96: {  	s31 =	simm.s32 $0x0  }
0x97: {  	s23 =	sand.u32 $0x7C00, s31;
	s21 =	sadd.s32 $0x380, s20;
	v1 =	vadd.f32 v2, v1  }
0x98: {  	s22 =	sand.u32 $0x40, s31;
	s23 =	sadd.s32 s23, s21  }
0x99: {  	s22 =	sadd.s32 s22, s23;
	[tilespmem:$0x0] =	vst v1  }
0x9a: {  	v2 =	vld [tilespmem:s22+$0x0];
	_ =	sdelay $0x3  }
0x9b: {  	s22 =	simm.s32 $0x200  }
0x9c: {  	s24 =	simm.s32 $0x40;
	s23 =	simm.s32 $0x80;
	s25 =	sand.u32 $0x7C00, s22;
	v1 =	vadd.f32 v2, v1  }
.LBB2_16:
0x9d: {  	p3 =	sne.s32 s23, $0xDC0;
	s24 =	sand.u32 $0x40, s24;
	s25 =	sadd.s32 s25, s21  }
0x9e: {  	s25 =	sadd.s32 s24, s25;
	[tilespmem:$0x0] =	vst v1;
	s24 =	smov.u32 s23  }
0x9f: {  	v2 =	vld [tilespmem:s25+$0x0]  }
.Ltmp9:
0xa0: {  	(pc) =	sbr.rel @p3 .LBB2_16-.Ltmp9, $3  }
0xa1: {  	_ =	sdelay $0x1  }
0xa2: {  	s22 =	sadd.s32 $0x200, s22  }
0xa3: {  	s23 =	sadd.s32 $0x40, s23;
	s25 =	sand.u32 $0x7C00, s22;
	v1 =	vadd.f32 v2, v1  }
0xa4: {  	s22 =	sand.u32 $0x40, s24;
	s21 =	sadd.s32 s25, s21  }
0xa5: {  	s21 =	sadd.s32 s22, s21;
	[tilespmem:$0x0] =	vst v1  }
0xa6: {  	v2 =	vld [tilespmem:s21+$0x0];
	_ =	sdelay $0x3  }
0xa7: {  	s30 =	simm.s32 $0x0  }
0xa8: {  	s20 =	sadd.s32 $0x400, s20;
	s31 =	sand.u32 $0x7C00, s30;
	v1 =	vadd.f32 v2, v1  }
0xa9: {  	s21 =	sand.u32 $0x40, s30;
	s22 =	sadd.s32 s31, s20  }
0xaa: {  	s21 =	sadd.s32 s21, s22;
	[tilespmem:$0x0] =	vst v1  }
0xab: {  	v2 =	vld [tilespmem:s21+$0x0];
	_ =	sdelay $0x3  }
0xac: {  	s21 =	simm.s32 $0x200  }
0xad: {  	s23 =	simm.s32 $0x40;
	s22 =	simm.s32 $0x80;
	s24 =	sand.u32 $0x7C00, s21;
	v1 =	vadd.f32 v2, v1  }
.LBB2_18:
0xae: {  	p3 =	sne.s32 s22, $0xDC0;
	s23 =	sand.u32 $0x40, s23;
	s24 =	sadd.s32 s24, s20  }
0xaf: {  	s24 =	sadd.s32 s23, s24;
	[tilespmem:$0x0] =	vst v1;
	s23 =	smov.u32 s22  }
0xb0: {  	v2 =	vld [tilespmem:s24+$0x0]  }
.Ltmp10:
0xb1: {  	(pc) =	sbr.rel @p3 .LBB2_18-.Ltmp10, $3  }
0xb2: {  	_ =	sdelay $0x1  }
0xb3: {  	s21 =	sadd.s32 $0x200, s21  }
0xb4: {  	s22 =	sadd.s32 $0x40, s22;
	s24 =	sand.u32 $0x7C00, s21;
	v1 =	vadd.f32 v2, v1  }
0xb5: {  	s21 =	sand.u32 $0x40, s23;
	s20 =	sadd.s32 s24, s20  }
0xb6: {  	s20 =	sadd.s32 s21, s20;
	[tilespmem:$0x0] =	vst v1  }
0xb7: {  	v2 =	vld [tilespmem:s20+$0x0];
	_ =	sdelay $0x1  }
0xb8: {  	p3 =	seq.s32 s19, s8;
	s19 =	sadd.s32 $0x1, s19;
	s20 =	simm.s32 $0x1  }
0xb9: {  	s20 =	simm.s32 @!p1 $0x0;
	p1 =	sne.s32 s19, s10  }
.Ltmp11:
0xba: {  	_ = 	snop;
	(pc) =	sbr.rel @p1 .LBB2_3-.Ltmp11, $4  }
.Ltmp12:
0xbb: {  	v1 =	vadd.f32 v2, v1;
	(pc) =	sbr.rel @!p1 .LBB2_20-.Ltmp12, $4  }
0xbc: {  	p2 =	por p3, p2;
	s21 =	simm.s32 $0x1  }
0xbd: {  	s21 =	simm.s32 @!p2 $0x0;
	[tilespmem:$0x0] =	vst v1  }
0xbe: {  	s17 =	sadd.s32 s21, s17;
	s15 =	sadd.s32 s20, s15;
	_ =	strace $0x9000004B  }
0xbf: {  	_ = 	snop  }
.LBB2_21:
0xc0: {  	_ =	sfence.sel $0x180000  }
0xc1: {  	[bflag:$0x0] =	sbarrier.arrive $0xFFFF  }
0xc2: {  	p0 =	sne.s32 s1, $0x0;
	_ =	strace $0x90000047  }
0xc3: {  	s0 =	sadd.s32 @!p0 $0x100000, s0;
	[bflag:$0x2] =	sbarrier.arrive $0xFFFF  }
0xc4: {  	[sflag:s0] =	ssyncadd.tile.s32 @!p0 $0x1;
	_ =	shalt  }
.Lfunc_end2:
_tile_overlayer_lowered:
.L_overlay_start_2:
0xc5: {  	(tag) =	ssettag $0x2  }
0xc6: {  	s0 =	rddreg [dreg:$0x0];
	s2 =	stileid.u32  }
0xc7: {  	s1 =	rddreg [dreg:$0x1];
	p0 =	sne.s32 s2, $0x0  }
0xc8: {  	s3 =	rddreg [dreg:$0x2];
	[bflag:$0x3] =	sbarrier.arrive $0xFFFF;
	s2 =	simm.s32 @!p0 $0x1C01  }
0xc9: {  	[timem:s3], [sflag:s2] =	dma.local @!p0 [hbm:s0], s1  }
0xca: {  	s0 =	simm.s32 @!p0 $0x1  }
0xcb: {  	_ =	swait.ge @!p0 [sflag:s0], s1  }
0xcc: {  	s1 =	ssub.s32 @!p0 $0x0, s1;
	[sflag:s0] =	ssyncset.done @!p0 $0x0  }
0xcd: {  	[sflag:s0] =	ssyncadd.s32 @!p0 s1  }
0xce: {  	[bflag:$0x3] =	sbarrier.arrive $0xFFFF  }
0xcf: {  	_ =	shalt  }

</sc_bundles>
